<compile_context>
chip_gen: v7x
topology: tpu7x:2x2x1
jax: 0.10.2.dev20260603
libtpu: 0.0.44.dev20260713+nightly
codegen_flags: <defaults>
</compile_context>

<pallas_src>
import functools

import jax
import jax.numpy as jnp
from jax import lax
from jax.experimental import pallas as pl
from jax.experimental.pallas import tpu as pltpu
from jax.experimental.pallas import tpu_sc as plsc

_B = 16384
_F = 32
_D = 128
_NC, _NS = 2, 16
_NW = _NC * _NS
_BPW = _B // _NW
_CH = 128
_NCHUNK = _BPW // _CH


def _make_gather_body(bpw):
    nchunk = bpw // _CH

    def _gather_body(user_h, item_h, eum_h, eim_h, um_o, im_o,
                     uidx, iidx, um_v, im_v, sem, osem):
        wid = lax.axis_index("s") * _NC + lax.axis_index("c")
        base = wid * bpw
        pltpu.sync_copy(user_h.at[pl.ds(base, bpw)], uidx)
        pltpu.sync_copy(item_h.at[pl.ds(base, bpw)], iidx)

        def issue_gather(c):
            b = c % 2
            off = c * _CH
            return (
                pltpu.async_copy(eum_h.at[uidx.at[pl.ds(off, _CH)]],
                                 um_v.at[b], sem),
                pltpu.async_copy(eim_h.at[iidx.at[pl.ds(off, _CH)]],
                                 im_v.at[b], sem),
            )

        writes = {}
        gath = issue_gather(0)
        for c in range(nchunk):
            b = c % 2
            off = c * _CH
            for d in gath:
                d.wait()
            w = (
                pltpu.async_copy(um_v.at[b],
                                 um_o.at[pl.ds(base + off, _CH)], osem),
                pltpu.async_copy(im_v.at[b],
                                 im_o.at[pl.ds(base + off, _CH)], osem),
            )
            writes[b] = w
            if c + 1 < nchunk:
                nb_ = (c + 1) % 2
                if nb_ in writes:
                    for d in writes.pop(nb_):
                        d.wait()
                gath = issue_gather(c + 1)
        for w in writes.values():
            for d in w:
                d.wait()

    return _gather_body


@functools.lru_cache(maxsize=None)
def _build_sc_gather(nb):
    bpw = nb // _NW
    return pl.kernel(
        _make_gather_body(bpw),
        out_type=(
            jax.ShapeDtypeStruct((nb, _D), jnp.float32),
            jax.ShapeDtypeStruct((nb, _D), jnp.float32),
        ),
        mesh=plsc.VectorSubcoreMesh(core_axis_name="c", subcore_axis_name="s",
                                    num_cores=_NC, num_subcores=_NS),
        scratch_types=[
            pltpu.VMEM((bpw,), jnp.int32),
            pltpu.VMEM((bpw,), jnp.int32),
            pltpu.VMEM((2, _CH, _D), jnp.float32),
            pltpu.VMEM((2, _CH, _D), jnp.float32),
            pltpu.SemaphoreType.DMA,
            pltpu.SemaphoreType.DMA,
        ],
    )


_BLK = 2048


def _mlp_body(ug, ig, um, im, w1, b1, w2, b2, w3, b3, wp, bp, out):
    w1_ = w1[...]
    h = jnp.dot(um[...], w1_[:_D], preferred_element_type=jnp.float32)
    h += jnp.dot(im[...], w1_[_D:], preferred_element_type=jnp.float32)
    h = jnp.maximum(h + b1[...], 0.0)
    h = jnp.maximum(
        jnp.dot(h, w2[...], preferred_element_type=jnp.float32) + b2[...], 0.0)
    h = jnp.maximum(
        jnp.dot(h, w3[...], preferred_element_type=jnp.float32) + b3[...], 0.0)
    gmf = ug[...] * ig[...]
    wp_ = wp[...]
    out[...] = (jnp.dot(gmf, wp_[:_F], preferred_element_type=jnp.float32)
                + jnp.dot(h, wp_[_F:], preferred_element_type=jnp.float32)
                + bp[0, 0])


def _full(shape):
    return pl.BlockSpec(shape, lambda i: (0,) * len(shape))


@functools.lru_cache(maxsize=None)
def _build_mlp(nb):
    return pl.pallas_call(
        _mlp_body,
        grid=(nb // _BLK,),
        in_specs=[
            pl.BlockSpec((_BLK, _F), lambda i: (i, 0)),
            pl.BlockSpec((_BLK, _F), lambda i: (i, 0)),
            pl.BlockSpec((_BLK, _D), lambda i: (i, 0)),
            pl.BlockSpec((_BLK, _D), lambda i: (i, 0)),
            _full((2 * _D, _D)),
            _full((1, _D)),
            _full((_D, 64)),
            _full((1, 64)),
            _full((64, _F)),
            _full((1, _F)),
            _full((2 * _F, 1)),
            _full((1, 1)),
        ],
        out_specs=pl.BlockSpec((_BLK, 1), lambda i: (i, 0)),
        out_shape=jax.ShapeDtypeStruct((nb, 1), jnp.float32),
    )


@jax.jit
def kernel(user, item, eug, eig, eum, eim, W1, b1, W2, b2, W3, b3, Wp, bp):
    user = user.astype(jnp.int32)
    item = item.astype(jnp.int32)
    ug = eug.at[user].get(mode="promise_in_bounds")
    ig = eig.at[item].get(mode="promise_in_bounds")

    um, im = _build_sc_gather(_B)(user, item, eum, eim)
    out2d = _build_mlp(_B)(ug, ig, um, im, W1, b1.reshape(1, _D),
                           W2, b2.reshape(1, 64), W3, b3.reshape(1, _F),
                           Wp, bp.reshape(1, 1))
    return out2d.reshape(-1)

# --- scband reference (transcript-rebuilt; emitter-appended) ---
"""Pipeline reference for scband-ncf-74749610819729 (READ-ONLY COPY).

The authoritative reference and input builder live on the scoring server;
editing this copy changes nothing except your own understanding.
"""

import jax, jax.numpy as jnp
import numpy as np

B = 16384
U = 1000000
I = 1000000
F = 32
D_MLP = F * 2 ** (3 - 1)  # 128

def setup_inputs(seed: int = 0) -> dict:
    key = jax.random.key(seed)
    ks = jax.random.split(key, 16)
    user = jax.random.randint(ks[0], (B,), 0, U)
    item = jax.random.randint(ks[1], (B,), 0, I)
    eug = jax.random.normal(ks[2], (U, F), dtype=jnp.float32) * 0.01
    eig = jax.random.normal(ks[3], (I, F), dtype=jnp.float32) * 0.01
    eum = jax.random.normal(ks[4], (U, D_MLP), dtype=jnp.float32) * 0.01
    eim = jax.random.normal(ks[5], (I, D_MLP), dtype=jnp.float32) * 0.01
    # MLP: 256 -> 128 -> 64 -> 32 (weights stored [in, out])
    W1 = jax.random.normal(ks[6], (256, 128), dtype=jnp.float32) * (1.0 / np.sqrt(256))
    b1 = jnp.zeros((128,), dtype=jnp.float32)
    W2 = jax.random.normal(ks[7], (128, 64), dtype=jnp.float32) * (1.0 / np.sqrt(128))
    b2 = jnp.zeros((64,), dtype=jnp.float32)
    W3 = jax.random.normal(ks[8], (64, 32), dtype=jnp.float32) * (1.0 / np.sqrt(64))
    b3 = jnp.zeros((32,), dtype=jnp.float32)
    # predict layer: in = factor_num*2 = 64
    Wp = jax.random.normal(ks[9], (64, 1), dtype=jnp.float32) * (1.0 / np.sqrt(64))
    bp = jnp.zeros((1,), dtype=jnp.float32)
    return {"user": user, "item": item, "eug": eug, "eig": eig, "eum": eum,
            "eim": eim, "W1": W1, "b1": b1, "W2": W2, "b2": b2, "W3": W3,
            "b3": b3, "Wp": Wp, "bp": bp}

def reference(user, item, eug, eig, eum, eim, W1, b1, W2, b2, W3, b3, Wp, bp):
    # NeuMF path: GMF branch
    user_gmf = jnp.take(eug, user, axis=0)
    item_gmf = jnp.take(eig, item, axis=0)
    gmf_output = user_gmf * item_gmf
    # MLP branch
    user_mlp = jnp.take(eum, user, axis=0)
    item_mlp = jnp.take(eim, item, axis=0)
    h = jnp.concatenate((user_mlp, item_mlp), axis=-1)
    # dropout p=0.0 -> identity
    h = jax.nn.relu(h @ W1 + b1)
    h = jax.nn.relu(h @ W2 + b2)
    h = jax.nn.relu(h @ W3 + b3)
    output = jnp.concatenate((gmf_output, h), axis=-1)
    prediction = output @ Wp + bp
    return prediction.reshape(-1)

if __name__ == "__main__":
    import jax
    _d = setup_inputs()
    print(jax.jit(kernel)(*tuple(_d.values())))

</pallas_src>

<mosaic_0001>
#map = affine_map<(d0, d1) -> (0)>
#map1 = affine_map<(d0, d1) -> (0, 0)>
module attributes {stable_mosaic.version = 14 : i64} {
  func.func @_gather_body(%arg0: i32, %arg1: i32, %arg2: memref<16384xi32, #tpu.memory_space<hbm>>, %arg3: memref<16384xi32, #tpu.memory_space<hbm>>, %arg4: memref<1000000x128xf32, #tpu.memory_space<hbm>>, %arg5: memref<1000000x128xf32, #tpu.memory_space<hbm>>, %arg6: memref<16384x128xf32, #tpu.memory_space<hbm>>, %arg7: memref<16384x128xf32, #tpu.memory_space<hbm>>, %arg8: memref<512xi32, #tpu.memory_space<vmem>>, %arg9: memref<512xi32, #tpu.memory_space<vmem>>, %arg10: memref<2x128x128xf32, #tpu.memory_space<vmem>>, %arg11: memref<2x128x128xf32, #tpu.memory_space<vmem>>, %arg12: memref<!tpu.dma_semaphore, #tpu.memory_space<semaphore_mem>>, %arg13: memref<!tpu.dma_semaphore, #tpu.memory_space<semaphore_mem>>) attributes {dimension_semantics = [#tpu.dimension_semantics<core_parallel>, #tpu.dimension_semantics<subcore_parallel>], iteration_bounds = array<i64: 2, 16>, scalar_prefetch = 0 : i64, scratch_operands = 6 : i64, tpu.core_type = #tpu.core_type<sc_vector_subcore>, window_params = [{transform_indices = #map}, {transform_indices = #map}, {transform_indices = #map1}, {transform_indices = #map1}, {transform_indices = #map1}, {transform_indices = #map1}]} {
    %mul3A = arith.constant 2 : i32
    %mul3A_0 = arith.muli %arg1, %mul3A : i32
    %add3A = arith.addi %mul3A_0, %arg0 : i32
    %mul3A_1 = arith.constant 512 : i32
    %mul3A_2 = arith.muli %add3A, %mul3A_1 : i32
    "tpu.region"() ({
      %run_scoped3A = tpu.sem_alloc : memref<!tpu.dma_semaphore, #tpu.memory_space<semaphore_mem>>
      %dma_start3A_385 = tpu.memref_slice %arg2[%mul3A_2] : memref<16384xi32, #tpu.memory_space<hbm>> -> memref<512xi32, #tpu.memory_space<hbm>>
      %dma_start3A_386 = tpu.memref_slice %arg2[%mul3A_2] : memref<16384xi32, #tpu.memory_space<hbm>> -> memref<512xi32, #tpu.memory_space<hbm>>
      tpu.enqueue_dma source(%dma_start3A_386 : memref<512xi32, #tpu.memory_space<hbm>>) target(%arg8 : memref<512xi32, #tpu.memory_space<vmem>>) target_semaphore(%run_scoped3A : memref<!tpu.dma_semaphore, #tpu.memory_space<semaphore_mem>>)
      %dma_wait3A_387 = tpu.memref_slice %arg2[%mul3A_2] : memref<16384xi32, #tpu.memory_space<hbm>> -> memref<512xi32, #tpu.memory_space<hbm>>
      %dma_wait3A_388 = tpu.memref_slice %arg2[%mul3A_2] : memref<16384xi32, #tpu.memory_space<hbm>> -> memref<512xi32, #tpu.memory_space<hbm>>
      tpu.wait_dma2 semaphore(%run_scoped3A : memref<!tpu.dma_semaphore, #tpu.memory_space<semaphore_mem>>) src(%dma_wait3A_388 : memref<512xi32, #tpu.memory_space<hbm>>) dst(%arg8 : memref<512xi32, #tpu.memory_space<vmem>>)
      tpu.yield
    }) : () -> ()
    "tpu.region"() ({
      %run_scoped3A = tpu.sem_alloc : memref<!tpu.dma_semaphore, #tpu.memory_space<semaphore_mem>>
      %dma_start3A_385 = tpu.memref_slice %arg3[%mul3A_2] : memref<16384xi32, #tpu.memory_space<hbm>> -> memref<512xi32, #tpu.memory_space<hbm>>
      %dma_start3A_386 = tpu.memref_slice %arg3[%mul3A_2] : memref<16384xi32, #tpu.memory_space<hbm>> -> memref<512xi32, #tpu.memory_space<hbm>>
      tpu.enqueue_dma source(%dma_start3A_386 : memref<512xi32, #tpu.memory_space<hbm>>) target(%arg9 : memref<512xi32, #tpu.memory_space<vmem>>) target_semaphore(%run_scoped3A : memref<!tpu.dma_semaphore, #tpu.memory_space<semaphore_mem>>)
      %dma_wait3A_387 = tpu.memref_slice %arg3[%mul3A_2] : memref<16384xi32, #tpu.memory_space<hbm>> -> memref<512xi32, #tpu.memory_space<hbm>>
      %dma_wait3A_388 = tpu.memref_slice %arg3[%mul3A_2] : memref<16384xi32, #tpu.memory_space<hbm>> -> memref<512xi32, #tpu.memory_space<hbm>>
      tpu.wait_dma2 semaphore(%run_scoped3A : memref<!tpu.dma_semaphore, #tpu.memory_space<semaphore_mem>>) src(%dma_wait3A_388 : memref<512xi32, #tpu.memory_space<hbm>>) dst(%arg9 : memref<512xi32, #tpu.memory_space<vmem>>)
      tpu.yield
    }) : () -> ()
    %dma_start3A = arith.constant 0 : i32
    %dma_start3A_3 = arith.constant 0 : i32
    %dma_start3A_4 = arith.constant 0 : i32
    %dma_start3A_5 = tpu.memref_slice %arg10[%dma_start3A, %dma_start3A_3, %dma_start3A_4] : memref<2x128x128xf32, #tpu.memory_space<vmem>> -> memref<1x128x128xf32, #tpu.memory_space<vmem>>
    %dma_start3A_6 = tpu.memref_squeeze %dma_start3A_5 : memref<1x128x128xf32, #tpu.memory_space<vmem>> -> memref<128x128xf32, #tpu.memory_space<vmem>>
    %dma_start3A_7 = arith.constant 0 : i32
    %dma_start3A_8 = tpu.memref_slice %arg8[%dma_start3A_7] : memref<512xi32, #tpu.memory_space<vmem>> -> memref<128xi32, #tpu.memory_space<vmem>>
    %dma_start3A_9 = arith.constant 0 : i32
    %dma_start3A_10 = arith.constant 0 : i32
    %dma_start3A_11 = tpu.memref_slice %arg4[%dma_start3A_9, %dma_start3A_10] : memref<1000000x128xf32, #tpu.memory_space<hbm>> -> memref<1000000x128xf32, #tpu.memory_space<hbm>>
    tpu.enqueue_indirect_dma source(%dma_start3A_11 : memref<1000000x128xf32, #tpu.memory_space<hbm>>) target(%dma_start3A_6 : memref<128x128xf32, #tpu.memory_space<vmem>>) offsets(%dma_start3A_8 : memref<128xi32, #tpu.memory_space<vmem>>) semaphore(%arg12 : memref<!tpu.dma_semaphore, #tpu.memory_space<semaphore_mem>>)
    %dma_start3A_12 = arith.constant 0 : i32
    %dma_start3A_13 = arith.constant 0 : i32
    %dma_start3A_14 = arith.constant 0 : i32
    %dma_start3A_15 = tpu.memref_slice %arg11[%dma_start3A_12, %dma_start3A_13, %dma_start3A_14] : memref<2x128x128xf32, #tpu.memory_space<vmem>> -> memref<1x128x128xf32, #tpu.memory_space<vmem>>
    %dma_start3A_16 = tpu.memref_squeeze %dma_start3A_15 : memref<1x128x128xf32, #tpu.memory_space<vmem>> -> memref<128x128xf32, #tpu.memory_space<vmem>>
    %dma_start3A_17 = arith.constant 0 : i32
    %dma_start3A_18 = tpu.memref_slice %arg9[%dma_start3A_17] : memref<512xi32, #tpu.memory_space<vmem>> -> memref<128xi32, #tpu.memory_space<vmem>>
    %dma_start3A_19 = arith.constant 0 : i32
    %dma_start3A_20 = arith.constant 0 : i32
    %dma_start3A_21 = tpu.memref_slice %arg5[%dma_start3A_19, %dma_start3A_20] : memref<1000000x128xf32, #tpu.memory_space<hbm>> -> memref<1000000x128xf32, #tpu.memory_space<hbm>>
    tpu.enqueue_indirect_dma source(%dma_start3A_21 : memref<1000000x128xf32, #tpu.memory_space<hbm>>) target(%dma_start3A_16 : memref<128x128xf32, #tpu.memory_space<vmem>>) offsets(%dma_start3A_18 : memref<128xi32, #tpu.memory_space<vmem>>) semaphore(%arg12 : memref<!tpu.dma_semaphore, #tpu.memory_space<semaphore_mem>>)
    %dma_wait3A = arith.constant 0 : i32
    %dma_wait3A_22 = arith.constant 0 : i32
    %dma_wait3A_23 = arith.constant 0 : i32
    %dma_wait3A_24 = tpu.memref_slice %arg10[%dma_wait3A, %dma_wait3A_22, %dma_wait3A_23] : memref<2x128x128xf32, #tpu.memory_space<vmem>> -> memref<1x128x128xf32, #tpu.memory_space<vmem>>
    %dma_wait3A_25 = tpu.memref_squeeze %dma_wait3A_24 : memref<1x128x128xf32, #tpu.memory_space<vmem>> -> memref<128x128xf32, #tpu.memory_space<vmem>>
    %dma_wait3A_26 = arith.constant 0 : i32
    %dma_wait3A_27 = tpu.memref_slice %arg8[%dma_wait3A_26] : memref<512xi32, #tpu.memory_space<vmem>> -> memref<128xi32, #tpu.memory_space<vmem>>
    %dma_wait3A_28 = arith.constant 0 : i32
    %dma_wait3A_29 = arith.constant 0 : i32
    %dma_wait3A_30 = tpu.memref_slice %arg4[%dma_wait3A_28, %dma_wait3A_29] : memref<1000000x128xf32, #tpu.memory_space<hbm>> -> memref<1000000x128xf32, #tpu.memory_space<hbm>>
    tpu.wait_indirect_dma semaphore(%arg12 : memref<!tpu.dma_semaphore, #tpu.memory_space<semaphore_mem>>) src(%dma_wait3A_30 : memref<1000000x128xf32, #tpu.memory_space<hbm>>) dst(%dma_wait3A_25 : memref<128x128xf32, #tpu.memory_space<vmem>>)
    %dma_wait3A_31 = arith.constant 0 : i32
    %dma_wait3A_32 = arith.constant 0 : i32
    %dma_wait3A_33 = arith.constant 0 : i32
    %dma_wait3A_34 = tpu.memref_slice %arg11[%dma_wait3A_31, %dma_wait3A_32, %dma_wait3A_33] : memref<2x128x128xf32, #tpu.memory_space<vmem>> -> memref<1x128x128xf32, #tpu.memory_space<vmem>>
    %dma_wait3A_35 = tpu.memref_squeeze %dma_wait3A_34 : memref<1x128x128xf32, #tpu.memory_space<vmem>> -> memref<128x128xf32, #tpu.memory_space<vmem>>
    %dma_wait3A_36 = arith.constant 0 : i32
    %dma_wait3A_37 = tpu.memref_slice %arg9[%dma_wait3A_36] : memref<512xi32, #tpu.memory_space<vmem>> -> memref<128xi32, #tpu.memory_space<vmem>>
    %dma_wait3A_38 = arith.constant 0 : i32
    %dma_wait3A_39 = arith.constant 0 : i32
    %dma_wait3A_40 = tpu.memref_slice %arg5[%dma_wait3A_38, %dma_wait3A_39] : memref<1000000x128xf32, #tpu.memory_space<hbm>> -> memref<1000000x128xf32, #tpu.memory_space<hbm>>
    tpu.wait_indirect_dma semaphore(%arg12 : memref<!tpu.dma_semaphore, #tpu.memory_space<semaphore_mem>>) src(%dma_wait3A_40 : memref<1000000x128xf32, #tpu.memory_space<hbm>>) dst(%dma_wait3A_35 : memref<128x128xf32, #tpu.memory_space<vmem>>)
    %add3A_41 = arith.constant 0 : i32
    %add3A_42 = arith.addi %mul3A_2, %add3A_41 : i32
    %dma_start3A_43 = arith.constant 0 : i32
    %dma_start3A_44 = arith.constant 0 : i32
    %dma_start3A_45 = arith.constant 0 : i32
    %dma_start3A_46 = tpu.memref_slice %arg10[%dma_start3A_43, %dma_start3A_44, %dma_start3A_45] : memref<2x128x128xf32, #tpu.memory_space<vmem>> -> memref<1x128x128xf32, #tpu.memory_space<vmem>>
    %dma_start3A_47 = tpu.memref_squeeze %dma_start3A_46 : memref<1x128x128xf32, #tpu.memory_space<vmem>> -> memref<128x128xf32, #tpu.memory_space<vmem>>
    %dma_start3A_48 = arith.constant 0 : i32
    %dma_start3A_49 = tpu.memref_slice %arg6[%add3A_42, %dma_start3A_48] : memref<16384x128xf32, #tpu.memory_space<hbm>> -> memref<128x128xf32, #tpu.memory_space<hbm>>
    %dma_start3A_50 = arith.constant 0 : i32
    %dma_start3A_51 = tpu.memref_slice %arg6[%add3A_42, %dma_start3A_50] : memref<16384x128xf32, #tpu.memory_space<hbm>> -> memref<128x128xf32, #tpu.memory_space<hbm>>
    %dma_start3A_52 = arith.constant 0 : i32
    %dma_start3A_53 = arith.constant 0 : i32
    %dma_start3A_54 = tpu.memref_slice %arg10[%dma_start3A_43, %dma_start3A_52, %dma_start3A_53] : memref<2x128x128xf32, #tpu.memory_space<vmem>> -> memref<1x128x128xf32, #tpu.memory_space<vmem>>
    %dma_start3A_55 = tpu.memref_squeeze %dma_start3A_54 : memref<1x128x128xf32, #tpu.memory_space<vmem>> -> memref<128x128xf32, #tpu.memory_space<vmem>>
    tpu.enqueue_dma source(%dma_start3A_55 : memref<128x128xf32, #tpu.memory_space<vmem>>) target(%dma_start3A_51 : memref<128x128xf32, #tpu.memory_space<hbm>>) target_semaphore(%arg13 : memref<!tpu.dma_semaphore, #tpu.memory_space<semaphore_mem>>)
    %add3A_56 = arith.constant 0 : i32
    %add3A_57 = arith.addi %mul3A_2, %add3A_56 : i32
    %dma_start3A_58 = arith.constant 0 : i32
    %dma_start3A_59 = arith.constant 0 : i32
    %dma_start3A_60 = arith.constant 0 : i32
    %dma_start3A_61 = tpu.memref_slice %arg11[%dma_start3A_58, %dma_start3A_59, %dma_start3A_60] : memref<2x128x128xf32, #tpu.memory_space<vmem>> -> memref<1x128x128xf32, #tpu.memory_space<vmem>>
    %dma_start3A_62 = tpu.memref_squeeze %dma_start3A_61 : memref<1x128x128xf32, #tpu.memory_space<vmem>> -> memref<128x128xf32, #tpu.memory_space<vmem>>
    %dma_start3A_63 = arith.constant 0 : i32
    %dma_start3A_64 = tpu.memref_slice %arg7[%add3A_57, %dma_start3A_63] : memref<16384x128xf32, #tpu.memory_space<hbm>> -> memref<128x128xf32, #tpu.memory_space<hbm>>
    %dma_start3A_65 = arith.constant 0 : i32
    %dma_start3A_66 = tpu.memref_slice %arg7[%add3A_57, %dma_start3A_65] : memref<16384x128xf32, #tpu.memory_space<hbm>> -> memref<128x128xf32, #tpu.memory_space<hbm>>
    %dma_start3A_67 = arith.constant 0 : i32
    %dma_start3A_68 = arith.constant 0 : i32
    %dma_start3A_69 = tpu.memref_slice %arg11[%dma_start3A_58, %dma_start3A_67, %dma_start3A_68] : memref<2x128x128xf32, #tpu.memory_space<vmem>> -> memref<1x128x128xf32, #tpu.memory_space<vmem>>
    %dma_start3A_70 = tpu.memref_squeeze %dma_start3A_69 : memref<1x128x128xf32, #tpu.memory_space<vmem>> -> memref<128x128xf32, #tpu.memory_space<vmem>>
    tpu.enqueue_dma source(%dma_start3A_70 : memref<128x128xf32, #tpu.memory_space<vmem>>) target(%dma_start3A_66 : memref<128x128xf32, #tpu.memory_space<hbm>>) target_semaphore(%arg13 : memref<!tpu.dma_semaphore, #tpu.memory_space<semaphore_mem>>)
    %dma_start3A_71 = arith.constant 1 : i32
    %dma_start3A_72 = arith.constant 0 : i32
    %dma_start3A_73 = arith.constant 0 : i32
    %dma_start3A_74 = tpu.memref_slice %arg10[%dma_start3A_71, %dma_start3A_72, %dma_start3A_73] : memref<2x128x128xf32, #tpu.memory_space<vmem>> -> memref<1x128x128xf32, #tpu.memory_space<vmem>>
    %dma_start3A_75 = tpu.memref_squeeze %dma_start3A_74 : memref<1x128x128xf32, #tpu.memory_space<vmem>> -> memref<128x128xf32, #tpu.memory_space<vmem>>
    %dma_start3A_76 = arith.constant 128 : i32
    %dma_start3A_77 = tpu.memref_slice %arg8[%dma_start3A_76] : memref<512xi32, #tpu.memory_space<vmem>> -> memref<128xi32, #tpu.memory_space<vmem>>
    %dma_start3A_78 = arith.constant 0 : i32
    %dma_start3A_79 = arith.constant 0 : i32
    %dma_start3A_80 = tpu.memref_slice %arg4[%dma_start3A_78, %dma_start3A_79] : memref<1000000x128xf32, #tpu.memory_space<hbm>> -> memref<1000000x128xf32, #tpu.memory_space<hbm>>
    tpu.enqueue_indirect_dma source(%dma_start3A_80 : memref<1000000x128xf32, #tpu.memory_space<hbm>>) target(%dma_start3A_75 : memref<128x128xf32, #tpu.memory_space<vmem>>) offsets(%dma_start3A_77 : memref<128xi32, #tpu.memory_space<vmem>>) semaphore(%arg12 : memref<!tpu.dma_semaphore, #tpu.memory_space<semaphore_mem>>)
    %dma_start3A_81 = arith.constant 1 : i32
    %dma_start3A_82 = arith.constant 0 : i32
    %dma_start3A_83 = arith.constant 0 : i32
    %dma_start3A_84 = tpu.memref_slice %arg11[%dma_start3A_81, %dma_start3A_82, %dma_start3A_83] : memref<2x128x128xf32, #tpu.memory_space<vmem>> -> memref<1x128x128xf32, #tpu.memory_space<vmem>>
    %dma_start3A_85 = tpu.memref_squeeze %dma_start3A_84 : memref<1x128x128xf32, #tpu.memory_space<vmem>> -> memref<128x128xf32, #tpu.memory_space<vmem>>
    %dma_start3A_86 = arith.constant 128 : i32
    %dma_start3A_87 = tpu.memref_slice %arg9[%dma_start3A_86] : memref<512xi32, #tpu.memory_space<vmem>> -> memref<128xi32, #tpu.memory_space<vmem>>
    %dma_start3A_88 = arith.constant 0 : i32
    %dma_start3A_89 = arith.constant 0 : i32
    %dma_start3A_90 = tpu.memref_slice %arg5[%dma_start3A_88, %dma_start3A_89] : memref<1000000x128xf32, #tpu.memory_space<hbm>> -> memref<1000000x128xf32, #tpu.memory_space<hbm>>
    tpu.enqueue_indirect_dma source(%dma_start3A_90 : memref<1000000x128xf32, #tpu.memory_space<hbm>>) target(%dma_start3A_85 : memref<128x128xf32, #tpu.memory_space<vmem>>) offsets(%dma_start3A_87 : memref<128xi32, #tpu.memory_space<vmem>>) semaphore(%arg12 : memref<!tpu.dma_semaphore, #tpu.memory_space<semaphore_mem>>)
    %dma_wait3A_91 = arith.constant 1 : i32
    %dma_wait3A_92 = arith.constant 0 : i32
    %dma_wait3A_93 = arith.constant 0 : i32
    %dma_wait3A_94 = tpu.memref_slice %arg10[%dma_wait3A_91, %dma_wait3A_92, %dma_wait3A_93] : memref<2x128x128xf32, #tpu.memory_space<vmem>> -> memref<1x128x128xf32, #tpu.memory_space<vmem>>
    %dma_wait3A_95 = tpu.memref_squeeze %dma_wait3A_94 : memref<1x128x128xf32, #tpu.memory_space<vmem>> -> memref<128x128xf32, #tpu.memory_space<vmem>>
    %dma_wait3A_96 = arith.constant 128 : i32
    %dma_wait3A_97 = tpu.memref_slice %arg8[%dma_wait3A_96] : memref<512xi32, #tpu.memory_space<vmem>> -> memref<128xi32, #tpu.memory_space<vmem>>
    %dma_wait3A_98 = arith.constant 0 : i32
    %dma_wait3A_99 = arith.constant 0 : i32
    %dma_wait3A_100 = tpu.memref_slice %arg4[%dma_wait3A_98, %dma_wait3A_99] : memref<1000000x128xf32, #tpu.memory_space<hbm>> -> memref<1000000x128xf32, #tpu.memory_space<hbm>>
    tpu.wait_indirect_dma semaphore(%arg12 : memref<!tpu.dma_semaphore, #tpu.memory_space<semaphore_mem>>) src(%dma_wait3A_100 : memref<1000000x128xf32, #tpu.memory_space<hbm>>) dst(%dma_wait3A_95 : memref<128x128xf32, #tpu.memory_space<vmem>>)
    %dma_wait3A_101 = arith.constant 1 : i32
    %dma_wait3A_102 = arith.constant 0 : i32
    %dma_wait3A_103 = arith.constant 0 : i32
    %dma_wait3A_104 = tpu.memref_slice %arg11[%dma_wait3A_101, %dma_wait3A_102, %dma_wait3A_103] : memref<2x128x128xf32, #tpu.memory_space<vmem>> -> memref<1x128x128xf32, #tpu.memory_space<vmem>>
    %dma_wait3A_105 = tpu.memref_squeeze %dma_wait3A_104 : memref<1x128x128xf32, #tpu.memory_space<vmem>> -> memref<128x128xf32, #tpu.memory_space<vmem>>
    %dma_wait3A_106 = arith.constant 128 : i32
    %dma_wait3A_107 = tpu.memref_slice %arg9[%dma_wait3A_106] : memref<512xi32, #tpu.memory_space<vmem>> -> memref<128xi32, #tpu.memory_space<vmem>>
    %dma_wait3A_108 = arith.constant 0 : i32
    %dma_wait3A_109 = arith.constant 0 : i32
    %dma_wait3A_110 = tpu.memref_slice %arg5[%dma_wait3A_108, %dma_wait3A_109] : memref<1000000x128xf32, #tpu.memory_space<hbm>> -> memref<1000000x128xf32, #tpu.memory_space<hbm>>
    tpu.wait_indirect_dma semaphore(%arg12 : memref<!tpu.dma_semaphore, #tpu.memory_space<semaphore_mem>>) src(%dma_wait3A_110 : memref<1000000x128xf32, #tpu.memory_space<hbm>>) dst(%dma_wait3A_105 : memref<128x128xf32, #tpu.memory_space<vmem>>)
    %add3A_111 = arith.constant 128 : i32
    %add3A_112 = arith.addi %mul3A_2, %add3A_111 : i32
    %dma_start3A_113 = arith.constant 1 : i32
    %dma_start3A_114 = arith.constant 0 : i32
    %dma_start3A_115 = arith.constant 0 : i32
    %dma_start3A_116 = tpu.memref_slice %arg10[%dma_start3A_113, %dma_start3A_114, %dma_start3A_115] : memref<2x128x128xf32, #tpu.memory_space<vmem>> -> memref<1x128x128xf32, #tpu.memory_space<vmem>>
    %dma_start3A_117 = tpu.memref_squeeze %dma_start3A_116 : memref<1x128x128xf32, #tpu.memory_space<vmem>> -> memref<128x128xf32, #tpu.memory_space<vmem>>
    %dma_start3A_118 = arith.constant 0 : i32
    %dma_start3A_119 = tpu.memref_slice %arg6[%add3A_112, %dma_start3A_118] : memref<16384x128xf32, #tpu.memory_space<hbm>> -> memref<128x128xf32, #tpu.memory_space<hbm>>
    %dma_start3A_120 = arith.constant 0 : i32
    %dma_start3A_121 = tpu.memref_slice %arg6[%add3A_112, %dma_start3A_120] : memref<16384x128xf32, #tpu.memory_space<hbm>> -> memref<128x128xf32, #tpu.memory_space<hbm>>
    %dma_start3A_122 = arith.constant 0 : i32
    %dma_start3A_123 = arith.constant 0 : i32
    %dma_start3A_124 = tpu.memref_slice %arg10[%dma_start3A_113, %dma_start3A_122, %dma_start3A_123] : memref<2x128x128xf32, #tpu.memory_space<vmem>> -> memref<1x128x128xf32, #tpu.memory_space<vmem>>
    %dma_start3A_125 = tpu.memref_squeeze %dma_start3A_124 : memref<1x128x128xf32, #tpu.memory_space<vmem>> -> memref<128x128xf32, #tpu.memory_space<vmem>>
    tpu.enqueue_dma source(%dma_start3A_125 : memref<128x128xf32, #tpu.memory_space<vmem>>) target(%dma_start3A_121 : memref<128x128xf32, #tpu.memory_space<hbm>>) target_semaphore(%arg13 : memref<!tpu.dma_semaphore, #tpu.memory_space<semaphore_mem>>)
    %add3A_126 = arith.constant 128 : i32
    %add3A_127 = arith.addi %mul3A_2, %add3A_126 : i32
    %dma_start3A_128 = arith.constant 1 : i32
    %dma_start3A_129 = arith.constant 0 : i32
    %dma_start3A_130 = arith.constant 0 : i32
    %dma_start3A_131 = tpu.memref_slice %arg11[%dma_start3A_128, %dma_start3A_129, %dma_start3A_130] : memref<2x128x128xf32, #tpu.memory_space<vmem>> -> memref<1x128x128xf32, #tpu.memory_space<vmem>>
    %dma_start3A_132 = tpu.memref_squeeze %dma_start3A_131 : memref<1x128x128xf32, #tpu.memory_space<vmem>> -> memref<128x128xf32, #tpu.memory_space<vmem>>
    %dma_start3A_133 = arith.constant 0 : i32
    %dma_start3A_134 = tpu.memref_slice %arg7[%add3A_127, %dma_start3A_133] : memref<16384x128xf32, #tpu.memory_space<hbm>> -> memref<128x128xf32, #tpu.memory_space<hbm>>
    %dma_start3A_135 = arith.constant 0 : i32
    %dma_start3A_136 = tpu.memref_slice %arg7[%add3A_127, %dma_start3A_135] : memref<16384x128xf32, #tpu.memory_space<hbm>> -> memref<128x128xf32, #tpu.memory_space<hbm>>
    %dma_start3A_137 = arith.constant 0 : i32
    %dma_start3A_138 = arith.constant 0 : i32
    %dma_start3A_139 = tpu.memref_slice %arg11[%dma_start3A_128, %dma_start3A_137, %dma_start3A_138] : memref<2x128x128xf32, #tpu.memory_space<vmem>> -> memref<1x128x128xf32, #tpu.memory_space<vmem>>
    %dma_start3A_140 = tpu.memref_squeeze %dma_start3A_139 : memref<1x128x128xf32, #tpu.memory_space<vmem>> -> memref<128x128xf32, #tpu.memory_space<vmem>>
    tpu.enqueue_dma source(%dma_start3A_140 : memref<128x128xf32, #tpu.memory_space<vmem>>) target(%dma_start3A_136 : memref<128x128xf32, #tpu.memory_space<hbm>>) target_semaphore(%arg13 : memref<!tpu.dma_semaphore, #tpu.memory_space<semaphore_mem>>)
    %dma_wait3A_141 = arith.constant 0 : i32
    %dma_wait3A_142 = arith.constant 0 : i32
    %dma_wait3A_143 = arith.constant 0 : i32
    %dma_wait3A_144 = tpu.memref_slice %arg10[%dma_wait3A_141, %dma_wait3A_142, %dma_wait3A_143] : memref<2x128x128xf32, #tpu.memory_space<vmem>> -> memref<1x128x128xf32, #tpu.memory_space<vmem>>
    %dma_wait3A_145 = tpu.memref_squeeze %dma_wait3A_144 : memref<1x128x128xf32, #tpu.memory_space<vmem>> -> memref<128x128xf32, #tpu.memory_space<vmem>>
    %dma_wait3A_146 = arith.constant 0 : i32
    %dma_wait3A_147 = tpu.memref_slice %arg6[%add3A_42, %dma_wait3A_146] : memref<16384x128xf32, #tpu.memory_space<hbm>> -> memref<128x128xf32, #tpu.memory_space<hbm>>
    %dma_wait3A_148 = arith.constant 0 : i32
    %dma_wait3A_149 = tpu.memref_slice %arg6[%add3A_42, %dma_wait3A_148] : memref<16384x128xf32, #tpu.memory_space<hbm>> -> memref<128x128xf32, #tpu.memory_space<hbm>>
    %dma_wait3A_150 = arith.constant 0 : i32
    %dma_wait3A_151 = arith.constant 0 : i32
    %dma_wait3A_152 = tpu.memref_slice %arg10[%dma_wait3A_141, %dma_wait3A_150, %dma_wait3A_151] : memref<2x128x128xf32, #tpu.memory_space<vmem>> -> memref<1x128x128xf32, #tpu.memory_space<vmem>>
    %dma_wait3A_153 = tpu.memref_squeeze %dma_wait3A_152 : memref<1x128x128xf32, #tpu.memory_space<vmem>> -> memref<128x128xf32, #tpu.memory_space<vmem>>
    tpu.wait_dma2 semaphore(%arg13 : memref<!tpu.dma_semaphore, #tpu.memory_space<semaphore_mem>>) src(%dma_wait3A_153 : memref<128x128xf32, #tpu.memory_space<vmem>>) dst(%dma_wait3A_149 : memref<128x128xf32, #tpu.memory_space<hbm>>)
    %dma_wait3A_154 = arith.constant 0 : i32
    %dma_wait3A_155 = arith.constant 0 : i32
    %dma_wait3A_156 = arith.constant 0 : i32
    %dma_wait3A_157 = tpu.memref_slice %arg11[%dma_wait3A_154, %dma_wait3A_155, %dma_wait3A_156] : memref<2x128x128xf32, #tpu.memory_space<vmem>> -> memref<1x128x128xf32, #tpu.memory_space<vmem>>
    %dma_wait3A_158 = tpu.memref_squeeze %dma_wait3A_157 : memref<1x128x128xf32, #tpu.memory_space<vmem>> -> memref<128x128xf32, #tpu.memory_space<vmem>>
    %dma_wait3A_159 = arith.constant 0 : i32
    %dma_wait3A_160 = tpu.memref_slice %arg7[%add3A_57, %dma_wait3A_159] : memref<16384x128xf32, #tpu.memory_space<hbm>> -> memref<128x128xf32, #tpu.memory_space<hbm>>
    %dma_wait3A_161 = arith.constant 0 : i32
    %dma_wait3A_162 = tpu.memref_slice %arg7[%add3A_57, %dma_wait3A_161] : memref<16384x128xf32, #tpu.memory_space<hbm>> -> memref<128x128xf32, #tpu.memory_space<hbm>>
    %dma_wait3A_163 = arith.constant 0 : i32
    %dma_wait3A_164 = arith.constant 0 : i32
    %dma_wait3A_165 = tpu.memref_slice %arg11[%dma_wait3A_154, %dma_wait3A_163, %dma_wait3A_164] : memref<2x128x128xf32, #tpu.memory_space<vmem>> -> memref<1x128x128xf32, #tpu.memory_space<vmem>>
    %dma_wait3A_166 = tpu.memref_squeeze %dma_wait3A_165 : memref<1x128x128xf32, #tpu.memory_space<vmem>> -> memref<128x128xf32, #tpu.memory_space<vmem>>
    tpu.wait_dma2 semaphore(%arg13 : memref<!tpu.dma_semaphore, #tpu.memory_space<semaphore_mem>>) src(%dma_wait3A_166 : memref<128x128xf32, #tpu.memory_space<vmem>>) dst(%dma_wait3A_162 : memref<128x128xf32, #tpu.memory_space<hbm>>)
    %dma_start3A_167 = arith.constant 0 : i32
    %dma_start3A_168 = arith.constant 0 : i32
    %dma_start3A_169 = arith.constant 0 : i32
    %dma_start3A_170 = tpu.memref_slice %arg10[%dma_start3A_167, %dma_start3A_168, %dma_start3A_169] : memref<2x128x128xf32, #tpu.memory_space<vmem>> -> memref<1x128x128xf32, #tpu.memory_space<vmem>>
    %dma_start3A_171 = tpu.memref_squeeze %dma_start3A_170 : memref<1x128x128xf32, #tpu.memory_space<vmem>> -> memref<128x128xf32, #tpu.memory_space<vmem>>
    %dma_start3A_172 = arith.constant 256 : i32
    %dma_start3A_173 = tpu.memref_slice %arg8[%dma_start3A_172] : memref<512xi32, #tpu.memory_space<vmem>> -> memref<128xi32, #tpu.memory_space<vmem>>
    %dma_start3A_174 = arith.constant 0 : i32
    %dma_start3A_175 = arith.constant 0 : i32
    %dma_start3A_176 = tpu.memref_slice %arg4[%dma_start3A_174, %dma_start3A_175] : memref<1000000x128xf32, #tpu.memory_space<hbm>> -> memref<1000000x128xf32, #tpu.memory_space<hbm>>
    tpu.enqueue_indirect_dma source(%dma_start3A_176 : memref<1000000x128xf32, #tpu.memory_space<hbm>>) target(%dma_start3A_171 : memref<128x128xf32, #tpu.memory_space<vmem>>) offsets(%dma_start3A_173 : memref<128xi32, #tpu.memory_space<vmem>>) semaphore(%arg12 : memref<!tpu.dma_semaphore, #tpu.memory_space<semaphore_mem>>)
    %dma_start3A_177 = arith.constant 0 : i32
    %dma_start3A_178 = arith.constant 0 : i32
    %dma_start3A_179 = arith.constant 0 : i32
    %dma_start3A_180 = tpu.memref_slice %arg11[%dma_start3A_177, %dma_start3A_178, %dma_start3A_179] : memref<2x128x128xf32, #tpu.memory_space<vmem>> -> memref<1x128x128xf32, #tpu.memory_space<vmem>>
    %dma_start3A_181 = tpu.memref_squeeze %dma_start3A_180 : memref<1x128x128xf32, #tpu.memory_space<vmem>> -> memref<128x128xf32, #tpu.memory_space<vmem>>
    %dma_start3A_182 = arith.constant 256 : i32
    %dma_start3A_183 = tpu.memref_slice %arg9[%dma_start3A_182] : memref<512xi32, #tpu.memory_space<vmem>> -> memref<128xi32, #tpu.memory_space<vmem>>
    %dma_start3A_184 = arith.constant 0 : i32
    %dma_start3A_185 = arith.constant 0 : i32
    %dma_start3A_186 = tpu.memref_slice %arg5[%dma_start3A_184, %dma_start3A_185] : memref<1000000x128xf32, #tpu.memory_space<hbm>> -> memref<1000000x128xf32, #tpu.memory_space<hbm>>
    tpu.enqueue_indirect_dma source(%dma_start3A_186 : memref<1000000x128xf32, #tpu.memory_space<hbm>>) target(%dma_start3A_181 : memref<128x128xf32, #tpu.memory_space<vmem>>) offsets(%dma_start3A_183 : memref<128xi32, #tpu.memory_space<vmem>>) semaphore(%arg12 : memref<!tpu.dma_semaphore, #tpu.memory_space<semaphore_mem>>)
    %dma_wait3A_187 = arith.constant 0 : i32
    %dma_wait3A_188 = arith.constant 0 : i32
    %dma_wait3A_189 = arith.constant 0 : i32
    %dma_wait3A_190 = tpu.memref_slice %arg10[%dma_wait3A_187, %dma_wait3A_188, %dma_wait3A_189] : memref<2x128x128xf32, #tpu.memory_space<vmem>> -> memref<1x128x128xf32, #tpu.memory_space<vmem>>
    %dma_wait3A_191 = tpu.memref_squeeze %dma_wait3A_190 : memref<1x128x128xf32, #tpu.memory_space<vmem>> -> memref<128x128xf32, #tpu.memory_space<vmem>>
    %dma_wait3A_192 = arith.constant 256 : i32
    %dma_wait3A_193 = tpu.memref_slice %arg8[%dma_wait3A_192] : memref<512xi32, #tpu.memory_space<vmem>> -> memref<128xi32, #tpu.memory_space<vmem>>
    %dma_wait3A_194 = arith.constant 0 : i32
    %dma_wait3A_195 = arith.constant 0 : i32
    %dma_wait3A_196 = tpu.memref_slice %arg4[%dma_wait3A_194, %dma_wait3A_195] : memref<1000000x128xf32, #tpu.memory_space<hbm>> -> memref<1000000x128xf32, #tpu.memory_space<hbm>>
    tpu.wait_indirect_dma semaphore(%arg12 : memref<!tpu.dma_semaphore, #tpu.memory_space<semaphore_mem>>) src(%dma_wait3A_196 : memref<1000000x128xf32, #tpu.memory_space<hbm>>) dst(%dma_wait3A_191 : memref<128x128xf32, #tpu.memory_space<vmem>>)
    %dma_wait3A_197 = arith.constant 0 : i32
    %dma_wait3A_198 = arith.constant 0 : i32
    %dma_wait3A_199 = arith.constant 0 : i32
    %dma_wait3A_200 = tpu.memref_slice %arg11[%dma_wait3A_197, %dma_wait3A_198, %dma_wait3A_199] : memref<2x128x128xf32, #tpu.memory_space<vmem>> -> memref<1x128x128xf32, #tpu.memory_space<vmem>>
    %dma_wait3A_201 = tpu.memref_squeeze %dma_wait3A_200 : memref<1x128x128xf32, #tpu.memory_space<vmem>> -> memref<128x128xf32, #tpu.memory_space<vmem>>
    %dma_wait3A_202 = arith.constant 256 : i32
    %dma_wait3A_203 = tpu.memref_slice %arg9[%dma_wait3A_202] : memref<512xi32, #tpu.memory_space<vmem>> -> memref<128xi32, #tpu.memory_space<vmem>>
    %dma_wait3A_204 = arith.constant 0 : i32
    %dma_wait3A_205 = arith.constant 0 : i32
    %dma_wait3A_206 = tpu.memref_slice %arg5[%dma_wait3A_204, %dma_wait3A_205] : memref<1000000x128xf32, #tpu.memory_space<hbm>> -> memref<1000000x128xf32, #tpu.memory_space<hbm>>
    tpu.wait_indirect_dma semaphore(%arg12 : memref<!tpu.dma_semaphore, #tpu.memory_space<semaphore_mem>>) src(%dma_wait3A_206 : memref<1000000x128xf32, #tpu.memory_space<hbm>>) dst(%dma_wait3A_201 : memref<128x128xf32, #tpu.memory_space<vmem>>)
    %add3A_207 = arith.constant 256 : i32
    %add3A_208 = arith.addi %mul3A_2, %add3A_207 : i32
    %dma_start3A_209 = arith.constant 0 : i32
    %dma_start3A_210 = arith.constant 0 : i32
    %dma_start3A_211 = arith.constant 0 : i32
    %dma_start3A_212 = tpu.memref_slice %arg10[%dma_start3A_209, %dma_start3A_210, %dma_start3A_211] : memref<2x128x128xf32, #tpu.memory_space<vmem>> -> memref<1x128x128xf32, #tpu.memory_space<vmem>>
    %dma_start3A_213 = tpu.memref_squeeze %dma_start3A_212 : memref<1x128x128xf32, #tpu.memory_space<vmem>> -> memref<128x128xf32, #tpu.memory_space<vmem>>
    %dma_start3A_214 = arith.constant 0 : i32
    %dma_start3A_215 = tpu.memref_slice %arg6[%add3A_208, %dma_start3A_214] : memref<16384x128xf32, #tpu.memory_space<hbm>> -> memref<128x128xf32, #tpu.memory_space<hbm>>
    %dma_start3A_216 = arith.constant 0 : i32
    %dma_start3A_217 = tpu.memref_slice %arg6[%add3A_208, %dma_start3A_216] : memref<16384x128xf32, #tpu.memory_space<hbm>> -> memref<128x128xf32, #tpu.memory_space<hbm>>
    %dma_start3A_218 = arith.constant 0 : i32
    %dma_start3A_219 = arith.constant 0 : i32
    %dma_start3A_220 = tpu.memref_slice %arg10[%dma_start3A_209, %dma_start3A_218, %dma_start3A_219] : memref<2x128x128xf32, #tpu.memory_space<vmem>> -> memref<1x128x128xf32, #tpu.memory_space<vmem>>
    %dma_start3A_221 = tpu.memref_squeeze %dma_start3A_220 : memref<1x128x128xf32, #tpu.memory_space<vmem>> -> memref<128x128xf32, #tpu.memory_space<vmem>>
    tpu.enqueue_dma source(%dma_start3A_221 : memref<128x128xf32, #tpu.memory_space<vmem>>) target(%dma_start3A_217 : memref<128x128xf32, #tpu.memory_space<hbm>>) target_semaphore(%arg13 : memref<!tpu.dma_semaphore, #tpu.memory_space<semaphore_mem>>)
    %add3A_222 = arith.constant 256 : i32
    %add3A_223 = arith.addi %mul3A_2, %add3A_222 : i32
    %dma_start3A_224 = arith.constant 0 : i32
    %dma_start3A_225 = arith.constant 0 : i32
    %dma_start3A_226 = arith.constant 0 : i32
    %dma_start3A_227 = tpu.memref_slice %arg11[%dma_start3A_224, %dma_start3A_225, %dma_start3A_226] : memref<2x128x128xf32, #tpu.memory_space<vmem>> -> memref<1x128x128xf32, #tpu.memory_space<vmem>>
    %dma_start3A_228 = tpu.memref_squeeze %dma_start3A_227 : memref<1x128x128xf32, #tpu.memory_space<vmem>> -> memref<128x128xf32, #tpu.memory_space<vmem>>
    %dma_start3A_229 = arith.constant 0 : i32
    %dma_start3A_230 = tpu.memref_slice %arg7[%add3A_223, %dma_start3A_229] : memref<16384x128xf32, #tpu.memory_space<hbm>> -> memref<128x128xf32, #tpu.memory_space<hbm>>
    %dma_start3A_231 = arith.constant 0 : i32
    %dma_start3A_232 = tpu.memref_slice %arg7[%add3A_223, %dma_start3A_231] : memref<16384x128xf32, #tpu.memory_space<hbm>> -> memref<128x128xf32, #tpu.memory_space<hbm>>
    %dma_start3A_233 = arith.constant 0 : i32
    %dma_start3A_234 = arith.constant 0 : i32
    %dma_start3A_235 = tpu.memref_slice %arg11[%dma_start3A_224, %dma_start3A_233, %dma_start3A_234] : memref<2x128x128xf32, #tpu.memory_space<vmem>> -> memref<1x128x128xf32, #tpu.memory_space<vmem>>
    %dma_start3A_236 = tpu.memref_squeeze %dma_start3A_235 : memref<1x128x128xf32, #tpu.memory_space<vmem>> -> memref<128x128xf32, #tpu.memory_space<vmem>>
    tpu.enqueue_dma source(%dma_start3A_236 : memref<128x128xf32, #tpu.memory_space<vmem>>) target(%dma_start3A_232 : memref<128x128xf32, #tpu.memory_space<hbm>>) target_semaphore(%arg13 : memref<!tpu.dma_semaphore, #tpu.memory_space<semaphore_mem>>)
    %dma_wait3A_237 = arith.constant 1 : i32
    %dma_wait3A_238 = arith.constant 0 : i32
    %dma_wait3A_239 = arith.constant 0 : i32
    %dma_wait3A_240 = tpu.memref_slice %arg10[%dma_wait3A_237, %dma_wait3A_238, %dma_wait3A_239] : memref<2x128x128xf32, #tpu.memory_space<vmem>> -> memref<1x128x128xf32, #tpu.memory_space<vmem>>
    %dma_wait3A_241 = tpu.memref_squeeze %dma_wait3A_240 : memref<1x128x128xf32, #tpu.memory_space<vmem>> -> memref<128x128xf32, #tpu.memory_space<vmem>>
    %dma_wait3A_242 = arith.constant 0 : i32
    %dma_wait3A_243 = tpu.memref_slice %arg6[%add3A_112, %dma_wait3A_242] : memref<16384x128xf32, #tpu.memory_space<hbm>> -> memref<128x128xf32, #tpu.memory_space<hbm>>
    %dma_wait3A_244 = arith.constant 0 : i32
    %dma_wait3A_245 = tpu.memref_slice %arg6[%add3A_112, %dma_wait3A_244] : memref<16384x128xf32, #tpu.memory_space<hbm>> -> memref<128x128xf32, #tpu.memory_space<hbm>>
    %dma_wait3A_246 = arith.constant 0 : i32
    %dma_wait3A_247 = arith.constant 0 : i32
    %dma_wait3A_248 = tpu.memref_slice %arg10[%dma_wait3A_237, %dma_wait3A_246, %dma_wait3A_247] : memref<2x128x128xf32, #tpu.memory_space<vmem>> -> memref<1x128x128xf32, #tpu.memory_space<vmem>>
    %dma_wait3A_249 = tpu.memref_squeeze %dma_wait3A_248 : memref<1x128x128xf32, #tpu.memory_space<vmem>> -> memref<128x128xf32, #tpu.memory_space<vmem>>
    tpu.wait_dma2 semaphore(%arg13 : memref<!tpu.dma_semaphore, #tpu.memory_space<semaphore_mem>>) src(%dma_wait3A_249 : memref<128x128xf32, #tpu.memory_space<vmem>>) dst(%dma_wait3A_245 : memref<128x128xf32, #tpu.memory_space<hbm>>)
    %dma_wait3A_250 = arith.constant 1 : i32
    %dma_wait3A_251 = arith.constant 0 : i32
    %dma_wait3A_252 = arith.constant 0 : i32
    %dma_wait3A_253 = tpu.memref_slice %arg11[%dma_wait3A_250, %dma_wait3A_251, %dma_wait3A_252] : memref<2x128x128xf32, #tpu.memory_space<vmem>> -> memref<1x128x128xf32, #tpu.memory_space<vmem>>
    %dma_wait3A_254 = tpu.memref_squeeze %dma_wait3A_253 : memref<1x128x128xf32, #tpu.memory_space<vmem>> -> memref<128x128xf32, #tpu.memory_space<vmem>>
    %dma_wait3A_255 = arith.constant 0 : i32
    %dma_wait3A_256 = tpu.memref_slice %arg7[%add3A_127, %dma_wait3A_255] : memref<16384x128xf32, #tpu.memory_space<hbm>> -> memref<128x128xf32, #tpu.memory_space<hbm>>
    %dma_wait3A_257 = arith.constant 0 : i32
    %dma_wait3A_258 = tpu.memref_slice %arg7[%add3A_127, %dma_wait3A_257] : memref<16384x128xf32, #tpu.memory_space<hbm>> -> memref<128x128xf32, #tpu.memory_space<hbm>>
    %dma_wait3A_259 = arith.constant 0 : i32
    %dma_wait3A_260 = arith.constant 0 : i32
    %dma_wait3A_261 = tpu.memref_slice %arg11[%dma_wait3A_250, %dma_wait3A_259, %dma_wait3A_260] : memref<2x128x128xf32, #tpu.memory_space<vmem>> -> memref<1x128x128xf32, #tpu.memory_space<vmem>>
    %dma_wait3A_262 = tpu.memref_squeeze %dma_wait3A_261 : memref<1x128x128xf32, #tpu.memory_space<vmem>> -> memref<128x128xf32, #tpu.memory_space<vmem>>
    tpu.wait_dma2 semaphore(%arg13 : memref<!tpu.dma_semaphore, #tpu.memory_space<semaphore_mem>>) src(%dma_wait3A_262 : memref<128x128xf32, #tpu.memory_space<vmem>>) dst(%dma_wait3A_258 : memref<128x128xf32, #tpu.memory_space<hbm>>)
    %dma_start3A_263 = arith.constant 1 : i32
    %dma_start3A_264 = arith.constant 0 : i32
    %dma_start3A_265 = arith.constant 0 : i32
    %dma_start3A_266 = tpu.memref_slice %arg10[%dma_start3A_263, %dma_start3A_264, %dma_start3A_265] : memref<2x128x128xf32, #tpu.memory_space<vmem>> -> memref<1x128x128xf32, #tpu.memory_space<vmem>>
    %dma_start3A_267 = tpu.memref_squeeze %dma_start3A_266 : memref<1x128x128xf32, #tpu.memory_space<vmem>> -> memref<128x128xf32, #tpu.memory_space<vmem>>
    %dma_start3A_268 = arith.constant 384 : i32
    %dma_start3A_269 = tpu.memref_slice %arg8[%dma_start3A_268] : memref<512xi32, #tpu.memory_space<vmem>> -> memref<128xi32, #tpu.memory_space<vmem>>
    %dma_start3A_270 = arith.constant 0 : i32
    %dma_start3A_271 = arith.constant 0 : i32
    %dma_start3A_272 = tpu.memref_slice %arg4[%dma_start3A_270, %dma_start3A_271] : memref<1000000x128xf32, #tpu.memory_space<hbm>> -> memref<1000000x128xf32, #tpu.memory_space<hbm>>
    tpu.enqueue_indirect_dma source(%dma_start3A_272 : memref<1000000x128xf32, #tpu.memory_space<hbm>>) target(%dma_start3A_267 : memref<128x128xf32, #tpu.memory_space<vmem>>) offsets(%dma_start3A_269 : memref<128xi32, #tpu.memory_space<vmem>>) semaphore(%arg12 : memref<!tpu.dma_semaphore, #tpu.memory_space<semaphore_mem>>)
    %dma_start3A_273 = arith.constant 1 : i32
    %dma_start3A_274 = arith.constant 0 : i32
    %dma_start3A_275 = arith.constant 0 : i32
    %dma_start3A_276 = tpu.memref_slice %arg11[%dma_start3A_273, %dma_start3A_274, %dma_start3A_275] : memref<2x128x128xf32, #tpu.memory_space<vmem>> -> memref<1x128x128xf32, #tpu.memory_space<vmem>>
    %dma_start3A_277 = tpu.memref_squeeze %dma_start3A_276 : memref<1x128x128xf32, #tpu.memory_space<vmem>> -> memref<128x128xf32, #tpu.memory_space<vmem>>
    %dma_start3A_278 = arith.constant 384 : i32
    %dma_start3A_279 = tpu.memref_slice %arg9[%dma_start3A_278] : memref<512xi32, #tpu.memory_space<vmem>> -> memref<128xi32, #tpu.memory_space<vmem>>
    %dma_start3A_280 = arith.constant 0 : i32
    %dma_start3A_281 = arith.constant 0 : i32
    %dma_start3A_282 = tpu.memref_slice %arg5[%dma_start3A_280, %dma_start3A_281] : memref<1000000x128xf32, #tpu.memory_space<hbm>> -> memref<1000000x128xf32, #tpu.memory_space<hbm>>
    tpu.enqueue_indirect_dma source(%dma_start3A_282 : memref<1000000x128xf32, #tpu.memory_space<hbm>>) target(%dma_start3A_277 : memref<128x128xf32, #tpu.memory_space<vmem>>) offsets(%dma_start3A_279 : memref<128xi32, #tpu.memory_space<vmem>>) semaphore(%arg12 : memref<!tpu.dma_semaphore, #tpu.memory_space<semaphore_mem>>)
    %dma_wait3A_283 = arith.constant 1 : i32
    %dma_wait3A_284 = arith.constant 0 : i32
    %dma_wait3A_285 = arith.constant 0 : i32
    %dma_wait3A_286 = tpu.memref_slice %arg10[%dma_wait3A_283, %dma_wait3A_284, %dma_wait3A_285] : memref<2x128x128xf32, #tpu.memory_space<vmem>> -> memref<1x128x128xf32, #tpu.memory_space<vmem>>
    %dma_wait3A_287 = tpu.memref_squeeze %dma_wait3A_286 : memref<1x128x128xf32, #tpu.memory_space<vmem>> -> memref<128x128xf32, #tpu.memory_space<vmem>>
    %dma_wait3A_288 = arith.constant 384 : i32
    %dma_wait3A_289 = tpu.memref_slice %arg8[%dma_wait3A_288] : memref<512xi32, #tpu.memory_space<vmem>> -> memref<128xi32, #tpu.memory_space<vmem>>
    %dma_wait3A_290 = arith.constant 0 : i32
    %dma_wait3A_291 = arith.constant 0 : i32
    %dma_wait3A_292 = tpu.memref_slice %arg4[%dma_wait3A_290, %dma_wait3A_291] : memref<1000000x128xf32, #tpu.memory_space<hbm>> -> memref<1000000x128xf32, #tpu.memory_space<hbm>>
    tpu.wait_indirect_dma semaphore(%arg12 : memref<!tpu.dma_semaphore, #tpu.memory_space<semaphore_mem>>) src(%dma_wait3A_292 : memref<1000000x128xf32, #tpu.memory_space<hbm>>) dst(%dma_wait3A_287 : memref<128x128xf32, #tpu.memory_space<vmem>>)
    %dma_wait3A_293 = arith.constant 1 : i32
    %dma_wait3A_294 = arith.constant 0 : i32
    %dma_wait3A_295 = arith.constant 0 : i32
    %dma_wait3A_296 = tpu.memref_slice %arg11[%dma_wait3A_293, %dma_wait3A_294, %dma_wait3A_295] : memref<2x128x128xf32, #tpu.memory_space<vmem>> -> memref<1x128x128xf32, #tpu.memory_space<vmem>>
    %dma_wait3A_297 = tpu.memref_squeeze %dma_wait3A_296 : memref<1x128x128xf32, #tpu.memory_space<vmem>> -> memref<128x128xf32, #tpu.memory_space<vmem>>
    %dma_wait3A_298 = arith.constant 384 : i32
    %dma_wait3A_299 = tpu.memref_slice %arg9[%dma_wait3A_298] : memref<512xi32, #tpu.memory_space<vmem>> -> memref<128xi32, #tpu.memory_space<vmem>>
    %dma_wait3A_300 = arith.constant 0 : i32
    %dma_wait3A_301 = arith.constant 0 : i32
    %dma_wait3A_302 = tpu.memref_slice %arg5[%dma_wait3A_300, %dma_wait3A_301] : memref<1000000x128xf32, #tpu.memory_space<hbm>> -> memref<1000000x128xf32, #tpu.memory_space<hbm>>
    tpu.wait_indirect_dma semaphore(%arg12 : memref<!tpu.dma_semaphore, #tpu.memory_space<semaphore_mem>>) src(%dma_wait3A_302 : memref<1000000x128xf32, #tpu.memory_space<hbm>>) dst(%dma_wait3A_297 : memref<128x128xf32, #tpu.memory_space<vmem>>)
    %add3A_303 = arith.constant 384 : i32
    %add3A_304 = arith.addi %mul3A_2, %add3A_303 : i32
    %dma_start3A_305 = arith.constant 1 : i32
    %dma_start3A_306 = arith.constant 0 : i32
    %dma_start3A_307 = arith.constant 0 : i32
    %dma_start3A_308 = tpu.memref_slice %arg10[%dma_start3A_305, %dma_start3A_306, %dma_start3A_307] : memref<2x128x128xf32, #tpu.memory_space<vmem>> -> memref<1x128x128xf32, #tpu.memory_space<vmem>>
    %dma_start3A_309 = tpu.memref_squeeze %dma_start3A_308 : memref<1x128x128xf32, #tpu.memory_space<vmem>> -> memref<128x128xf32, #tpu.memory_space<vmem>>
    %dma_start3A_310 = arith.constant 0 : i32
    %dma_start3A_311 = tpu.memref_slice %arg6[%add3A_304, %dma_start3A_310] : memref<16384x128xf32, #tpu.memory_space<hbm>> -> memref<128x128xf32, #tpu.memory_space<hbm>>
    %dma_start3A_312 = arith.constant 0 : i32
    %dma_start3A_313 = tpu.memref_slice %arg6[%add3A_304, %dma_start3A_312] : memref<16384x128xf32, #tpu.memory_space<hbm>> -> memref<128x128xf32, #tpu.memory_space<hbm>>
    %dma_start3A_314 = arith.constant 0 : i32
    %dma_start3A_315 = arith.constant 0 : i32
    %dma_start3A_316 = tpu.memref_slice %arg10[%dma_start3A_305, %dma_start3A_314, %dma_start3A_315] : memref<2x128x128xf32, #tpu.memory_space<vmem>> -> memref<1x128x128xf32, #tpu.memory_space<vmem>>
    %dma_start3A_317 = tpu.memref_squeeze %dma_start3A_316 : memref<1x128x128xf32, #tpu.memory_space<vmem>> -> memref<128x128xf32, #tpu.memory_space<vmem>>
    tpu.enqueue_dma source(%dma_start3A_317 : memref<128x128xf32, #tpu.memory_space<vmem>>) target(%dma_start3A_313 : memref<128x128xf32, #tpu.memory_space<hbm>>) target_semaphore(%arg13 : memref<!tpu.dma_semaphore, #tpu.memory_space<semaphore_mem>>)
    %add3A_318 = arith.constant 384 : i32
    %add3A_319 = arith.addi %mul3A_2, %add3A_318 : i32
    %dma_start3A_320 = arith.constant 1 : i32
    %dma_start3A_321 = arith.constant 0 : i32
    %dma_start3A_322 = arith.constant 0 : i32
    %dma_start3A_323 = tpu.memref_slice %arg11[%dma_start3A_320, %dma_start3A_321, %dma_start3A_322] : memref<2x128x128xf32, #tpu.memory_space<vmem>> -> memref<1x128x128xf32, #tpu.memory_space<vmem>>
    %dma_start3A_324 = tpu.memref_squeeze %dma_start3A_323 : memref<1x128x128xf32, #tpu.memory_space<vmem>> -> memref<128x128xf32, #tpu.memory_space<vmem>>
    %dma_start3A_325 = arith.constant 0 : i32
    %dma_start3A_326 = tpu.memref_slice %arg7[%add3A_319, %dma_start3A_325] : memref<16384x128xf32, #tpu.memory_space<hbm>> -> memref<128x128xf32, #tpu.memory_space<hbm>>
    %dma_start3A_327 = arith.constant 0 : i32
    %dma_start3A_328 = tpu.memref_slice %arg7[%add3A_319, %dma_start3A_327] : memref<16384x128xf32, #tpu.memory_space<hbm>> -> memref<128x128xf32, #tpu.memory_space<hbm>>
    %dma_start3A_329 = arith.constant 0 : i32
    %dma_start3A_330 = arith.constant 0 : i32
    %dma_start3A_331 = tpu.memref_slice %arg11[%dma_start3A_320, %dma_start3A_329, %dma_start3A_330] : memref<2x128x128xf32, #tpu.memory_space<vmem>> -> memref<1x128x128xf32, #tpu.memory_space<vmem>>
    %dma_start3A_332 = tpu.memref_squeeze %dma_start3A_331 : memref<1x128x128xf32, #tpu.memory_space<vmem>> -> memref<128x128xf32, #tpu.memory_space<vmem>>
    tpu.enqueue_dma source(%dma_start3A_332 : memref<128x128xf32, #tpu.memory_space<vmem>>) target(%dma_start3A_328 : memref<128x128xf32, #tpu.memory_space<hbm>>) target_semaphore(%arg13 : memref<!tpu.dma_semaphore, #tpu.memory_space<semaphore_mem>>)
    %dma_wait3A_333 = arith.constant 0 : i32
    %dma_wait3A_334 = arith.constant 0 : i32
    %dma_wait3A_335 = arith.constant 0 : i32
    %dma_wait3A_336 = tpu.memref_slice %arg10[%dma_wait3A_333, %dma_wait3A_334, %dma_wait3A_335] : memref<2x128x128xf32, #tpu.memory_space<vmem>> -> memref<1x128x128xf32, #tpu.memory_space<vmem>>
    %dma_wait3A_337 = tpu.memref_squeeze %dma_wait3A_336 : memref<1x128x128xf32, #tpu.memory_space<vmem>> -> memref<128x128xf32, #tpu.memory_space<vmem>>
    %dma_wait3A_338 = arith.constant 0 : i32
    %dma_wait3A_339 = tpu.memref_slice %arg6[%add3A_208, %dma_wait3A_338] : memref<16384x128xf32, #tpu.memory_space<hbm>> -> memref<128x128xf32, #tpu.memory_space<hbm>>
    %dma_wait3A_340 = arith.constant 0 : i32
    %dma_wait3A_341 = tpu.memref_slice %arg6[%add3A_208, %dma_wait3A_340] : memref<16384x128xf32, #tpu.memory_space<hbm>> -> memref<128x128xf32, #tpu.memory_space<hbm>>
    %dma_wait3A_342 = arith.constant 0 : i32
    %dma_wait3A_343 = arith.constant 0 : i32
    %dma_wait3A_344 = tpu.memref_slice %arg10[%dma_wait3A_333, %dma_wait3A_342, %dma_wait3A_343] : memref<2x128x128xf32, #tpu.memory_space<vmem>> -> memref<1x128x128xf32, #tpu.memory_space<vmem>>
    %dma_wait3A_345 = tpu.memref_squeeze %dma_wait3A_344 : memref<1x128x128xf32, #tpu.memory_space<vmem>> -> memref<128x128xf32, #tpu.memory_space<vmem>>
    tpu.wait_dma2 semaphore(%arg13 : memref<!tpu.dma_semaphore, #tpu.memory_space<semaphore_mem>>) src(%dma_wait3A_345 : memref<128x128xf32, #tpu.memory_space<vmem>>) dst(%dma_wait3A_341 : memref<128x128xf32, #tpu.memory_space<hbm>>)
    %dma_wait3A_346 = arith.constant 0 : i32
    %dma_wait3A_347 = arith.constant 0 : i32
    %dma_wait3A_348 = arith.constant 0 : i32
    %dma_wait3A_349 = tpu.memref_slice %arg11[%dma_wait3A_346, %dma_wait3A_347, %dma_wait3A_348] : memref<2x128x128xf32, #tpu.memory_space<vmem>> -> memref<1x128x128xf32, #tpu.memory_space<vmem>>
    %dma_wait3A_350 = tpu.memref_squeeze %dma_wait3A_349 : memref<1x128x128xf32, #tpu.memory_space<vmem>> -> memref<128x128xf32, #tpu.memory_space<vmem>>
    %dma_wait3A_351 = arith.constant 0 : i32
    %dma_wait3A_352 = tpu.memref_slice %arg7[%add3A_223, %dma_wait3A_351] : memref<16384x128xf32, #tpu.memory_space<hbm>> -> memref<128x128xf32, #tpu.memory_space<hbm>>
    %dma_wait3A_353 = arith.constant 0 : i32
    %dma_wait3A_354 = tpu.memref_slice %arg7[%add3A_223, %dma_wait3A_353] : memref<16384x128xf32, #tpu.memory_space<hbm>> -> memref<128x128xf32, #tpu.memory_space<hbm>>
    %dma_wait3A_355 = arith.constant 0 : i32
    %dma_wait3A_356 = arith.constant 0 : i32
    %dma_wait3A_357 = tpu.memref_slice %arg11[%dma_wait3A_346, %dma_wait3A_355, %dma_wait3A_356] : memref<2x128x128xf32, #tpu.memory_space<vmem>> -> memref<1x128x128xf32, #tpu.memory_space<vmem>>
    %dma_wait3A_358 = tpu.memref_squeeze %dma_wait3A_357 : memref<1x128x128xf32, #tpu.memory_space<vmem>> -> memref<128x128xf32, #tpu.memory_space<vmem>>
    tpu.wait_dma2 semaphore(%arg13 : memref<!tpu.dma_semaphore, #tpu.memory_space<semaphore_mem>>) src(%dma_wait3A_358 : memref<128x128xf32, #tpu.memory_space<vmem>>) dst(%dma_wait3A_354 : memref<128x128xf32, #tpu.memory_space<hbm>>)
    %dma_wait3A_359 = arith.constant 1 : i32
    %dma_wait3A_360 = arith.constant 0 : i32
    %dma_wait3A_361 = arith.constant 0 : i32
    %dma_wait3A_362 = tpu.memref_slice %arg10[%dma_wait3A_359, %dma_wait3A_360, %dma_wait3A_361] : memref<2x128x128xf32, #tpu.memory_space<vmem>> -> memref<1x128x128xf32, #tpu.memory_space<vmem>>
    %dma_wait3A_363 = tpu.memref_squeeze %dma_wait3A_362 : memref<1x128x128xf32, #tpu.memory_space<vmem>> -> memref<128x128xf32, #tpu.memory_space<vmem>>
    %dma_wait3A_364 = arith.constant 0 : i32
    %dma_wait3A_365 = tpu.memref_slice %arg6[%add3A_304, %dma_wait3A_364] : memref<16384x128xf32, #tpu.memory_space<hbm>> -> memref<128x128xf32, #tpu.memory_space<hbm>>
    %dma_wait3A_366 = arith.constant 0 : i32
    %dma_wait3A_367 = tpu.memref_slice %arg6[%add3A_304, %dma_wait3A_366] : memref<16384x128xf32, #tpu.memory_space<hbm>> -> memref<128x128xf32, #tpu.memory_space<hbm>>
    %dma_wait3A_368 = arith.constant 0 : i32
    %dma_wait3A_369 = arith.constant 0 : i32
    %dma_wait3A_370 = tpu.memref_slice %arg10[%dma_wait3A_359, %dma_wait3A_368, %dma_wait3A_369] : memref<2x128x128xf32, #tpu.memory_space<vmem>> -> memref<1x128x128xf32, #tpu.memory_space<vmem>>
    %dma_wait3A_371 = tpu.memref_squeeze %dma_wait3A_370 : memref<1x128x128xf32, #tpu.memory_space<vmem>> -> memref<128x128xf32, #tpu.memory_space<vmem>>
    tpu.wait_dma2 semaphore(%arg13 : memref<!tpu.dma_semaphore, #tpu.memory_space<semaphore_mem>>) src(%dma_wait3A_371 : memref<128x128xf32, #tpu.memory_space<vmem>>) dst(%dma_wait3A_367 : memref<128x128xf32, #tpu.memory_space<hbm>>)
    %dma_wait3A_372 = arith.constant 1 : i32
    %dma_wait3A_373 = arith.constant 0 : i32
    %dma_wait3A_374 = arith.constant 0 : i32
    %dma_wait3A_375 = tpu.memref_slice %arg11[%dma_wait3A_372, %dma_wait3A_373, %dma_wait3A_374] : memref<2x128x128xf32, #tpu.memory_space<vmem>> -> memref<1x128x128xf32, #tpu.memory_space<vmem>>
    %dma_wait3A_376 = tpu.memref_squeeze %dma_wait3A_375 : memref<1x128x128xf32, #tpu.memory_space<vmem>> -> memref<128x128xf32, #tpu.memory_space<vmem>>
    %dma_wait3A_377 = arith.constant 0 : i32
    %dma_wait3A_378 = tpu.memref_slice %arg7[%add3A_319, %dma_wait3A_377] : memref<16384x128xf32, #tpu.memory_space<hbm>> -> memref<128x128xf32, #tpu.memory_space<hbm>>
    %dma_wait3A_379 = arith.constant 0 : i32
    %dma_wait3A_380 = tpu.memref_slice %arg7[%add3A_319, %dma_wait3A_379] : memref<16384x128xf32, #tpu.memory_space<hbm>> -> memref<128x128xf32, #tpu.memory_space<hbm>>
    %dma_wait3A_381 = arith.constant 0 : i32
    %dma_wait3A_382 = arith.constant 0 : i32
    %dma_wait3A_383 = tpu.memref_slice %arg11[%dma_wait3A_372, %dma_wait3A_381, %dma_wait3A_382] : memref<2x128x128xf32, #tpu.memory_space<vmem>> -> memref<1x128x128xf32, #tpu.memory_space<vmem>>
    %dma_wait3A_384 = tpu.memref_squeeze %dma_wait3A_383 : memref<1x128x128xf32, #tpu.memory_space<vmem>> -> memref<128x128xf32, #tpu.memory_space<vmem>>
    tpu.wait_dma2 semaphore(%arg13 : memref<!tpu.dma_semaphore, #tpu.memory_space<semaphore_mem>>) src(%dma_wait3A_384 : memref<128x128xf32, #tpu.memory_space<vmem>>) dst(%dma_wait3A_380 : memref<128x128xf32, #tpu.memory_space<hbm>>)
    return
  }
}

module attributes {stable_mosaic.version = 14 : i64} {
  func.func @_mlp_body(%arg0: i32, %arg1: memref<2048x32xf32, #tpu.memory_space<vmem>>, %arg2: memref<2048x32xf32, #tpu.memory_space<vmem>>, %arg3: memref<2048x128xf32, #tpu.memory_space<vmem>>, %arg4: memref<2048x128xf32, #tpu.memory_space<vmem>>, %arg5: memref<256x128xf32, #tpu.memory_space<vmem>>, %arg6: memref<1x128xf32, #tpu.memory_space<vmem>>, %arg7: memref<128x64xf32, #tpu.memory_space<vmem>>, %arg8: memref<1x64xf32, #tpu.memory_space<vmem>>, %arg9: memref<64x32xf32, #tpu.memory_space<vmem>>, %arg10: memref<1x32xf32, #tpu.memory_space<vmem>>, %arg11: memref<64x1xf32, #tpu.memory_space<vmem>>, %arg12: memref<1x1xf32, #tpu.memory_space<vmem>>, %arg13: memref<2048x1xf32, #tpu.memory_space<vmem>>) attributes {dimension_semantics = [#tpu.dimension_semantics<arbitrary>], iteration_bounds = array<i64: 8>, scalar_prefetch = 0 : i64, scratch_operands = 0 : i64, tpu.core_type = #tpu.core_type<tc>, window_params = [{transform_indices = @transform_0, window_bounds = array<i64: 2048, 32>}, {transform_indices = @transform_1, window_bounds = array<i64: 2048, 32>}, {transform_indices = @transform_2, window_bounds = array<i64: 2048, 128>}, {transform_indices = @transform_3, window_bounds = array<i64: 2048, 128>}, {pipeline_mode = #tpu.pipeline_mode<synchronous>, transform_indices = @transform_4, window_bounds = array<i64: 256, 128>}, {pipeline_mode = #tpu.pipeline_mode<synchronous>, transform_indices = @transform_5, window_bounds = array<i64: 1, 128>}, {pipeline_mode = #tpu.pipeline_mode<synchronous>, transform_indices = @transform_6, window_bounds = array<i64: 128, 64>}, {pipeline_mode = #tpu.pipeline_mode<synchronous>, transform_indices = @transform_7, window_bounds = array<i64: 1, 64>}, {pipeline_mode = #tpu.pipeline_mode<synchronous>, transform_indices = @transform_8, window_bounds = array<i64: 64, 32>}, {pipeline_mode = #tpu.pipeline_mode<synchronous>, transform_indices = @transform_9, window_bounds = array<i64: 1, 32>}, {pipeline_mode = #tpu.pipeline_mode<synchronous>, transform_indices = @transform_10, window_bounds = array<i64: 64, 1>}, {pipeline_mode = #tpu.pipeline_mode<synchronous>, transform_indices = @transform_11, window_bounds = array<i64: 1, 1>}, {transform_indices = @transform_12, window_bounds = array<i64: 2048, 1>}]} {
    %get3A = arith.constant 0 : index
    %get3A_0 = arith.constant 0 : index
    %get3A_1 = vector.load %arg5[%get3A, %get3A_0] : memref<256x128xf32, #tpu.memory_space<vmem>>, vector<256x128xf32>
    %get3A_2 = arith.constant 0 : index
    %get3A_3 = arith.constant 0 : index
    %get3A_4 = vector.load %arg3[%get3A_2, %get3A_3] : memref<2048x128xf32, #tpu.memory_space<vmem>>, vector<2048x128xf32>
    %slice3A = vector.extract_strided_slice %get3A_1 {offsets = [0, 0], sizes = [128, 128], strides = [1, 1]} : vector<256x128xf32> to vector<128x128xf32>
    %dot_general3A = arith.constant dense<0.000000e+00> : vector<2048x128xf32>
    %dot_general3A_5 = tpu.matmul %get3A_4, %slice3A, %dot_general3A {dimension_numbers = #tpu.dot_dimension_numbers<[1], [0], [0], [1], [0, 0, 1, 1], [], []>, transpose_lhs_hint = false} : vector<2048x128xf32>, vector<128x128xf32>, vector<2048x128xf32> -> vector<2048x128xf32>
    %get3A_6 = arith.constant 0 : index
    %get3A_7 = arith.constant 0 : index
    %get3A_8 = vector.load %arg4[%get3A_6, %get3A_7] : memref<2048x128xf32, #tpu.memory_space<vmem>>, vector<2048x128xf32>
    %slice3A_9 = vector.extract_strided_slice %get3A_1 {offsets = [128, 0], sizes = [128, 128], strides = [1, 1]} : vector<256x128xf32> to vector<128x128xf32>
    %dot_general3A_10 = arith.constant dense<0.000000e+00> : vector<2048x128xf32>
    %dot_general3A_11 = tpu.matmul %get3A_8, %slice3A_9, %dot_general3A_10 {dimension_numbers = #tpu.dot_dimension_numbers<[1], [0], [0], [1], [0, 0, 1, 1], [], []>, transpose_lhs_hint = false} : vector<2048x128xf32>, vector<128x128xf32>, vector<2048x128xf32> -> vector<2048x128xf32>
    %add3A = arith.addf %dot_general3A_5, %dot_general3A_11 : vector<2048x128xf32>
    %get3A_12 = arith.constant 0 : index
    %get3A_13 = arith.constant 0 : index
    %get3A_14 = vector.load %arg6[%get3A_12, %get3A_13] : memref<1x128xf32, #tpu.memory_space<vmem>>, vector<1x128xf32>
    %add3A_15 = vector.broadcast %get3A_14 : vector<1x128xf32> to vector<2048x128xf32>
    %add3A_16 = arith.addf %add3A, %add3A_15 : vector<2048x128xf32>
    %max3A = arith.constant 0.000000e+00 : f32
    %max3A_17 = vector.broadcast %max3A : f32 to vector<2048x128xf32>
    %max3A_18 = arith.maximumf %add3A_16, %max3A_17 : vector<2048x128xf32>
    %get3A_19 = arith.constant 0 : index
    %get3A_20 = arith.constant 0 : index
    %get3A_21 = vector.load %arg7[%get3A_19, %get3A_20] : memref<128x64xf32, #tpu.memory_space<vmem>>, vector<128x64xf32>
    %dot_general3A_22 = arith.constant dense<0.000000e+00> : vector<2048x64xf32>
    %dot_general3A_23 = tpu.matmul %max3A_18, %get3A_21, %dot_general3A_22 {dimension_numbers = #tpu.dot_dimension_numbers<[1], [0], [0], [1], [0, 0, 1, 1], [], []>, transpose_lhs_hint = false} : vector<2048x128xf32>, vector<128x64xf32>, vector<2048x64xf32> -> vector<2048x64xf32>
    %get3A_24 = arith.constant 0 : index
    %get3A_25 = arith.constant 0 : index
    %get3A_26 = vector.load %arg8[%get3A_24, %get3A_25] : memref<1x64xf32, #tpu.memory_space<vmem>>, vector<1x64xf32>
    %add3A_27 = vector.broadcast %get3A_26 : vector<1x64xf32> to vector<2048x64xf32>
    %add3A_28 = arith.addf %dot_general3A_23, %add3A_27 : vector<2048x64xf32>
    %max3A_29 = arith.constant 0.000000e+00 : f32
    %max3A_30 = vector.broadcast %max3A_29 : f32 to vector<2048x64xf32>
    %max3A_31 = arith.maximumf %add3A_28, %max3A_30 : vector<2048x64xf32>
    %get3A_32 = arith.constant 0 : index
    %get3A_33 = arith.constant 0 : index
    %get3A_34 = vector.load %arg9[%get3A_32, %get3A_33] : memref<64x32xf32, #tpu.memory_space<vmem>>, vector<64x32xf32>
    %dot_general3A_35 = arith.constant dense<0.000000e+00> : vector<2048x32xf32>
    %dot_general3A_36 = tpu.matmul %max3A_31, %get3A_34, %dot_general3A_35 {dimension_numbers = #tpu.dot_dimension_numbers<[1], [0], [0], [1], [0, 0, 1, 1], [], []>, transpose_lhs_hint = false} : vector<2048x64xf32>, vector<64x32xf32>, vector<2048x32xf32> -> vector<2048x32xf32>
    %get3A_37 = arith.constant 0 : index
    %get3A_38 = arith.constant 0 : index
    %get3A_39 = vector.load %arg10[%get3A_37, %get3A_38] : memref<1x32xf32, #tpu.memory_space<vmem>>, vector<1x32xf32>
    %add3A_40 = vector.broadcast %get3A_39 : vector<1x32xf32> to vector<2048x32xf32>
    %add3A_41 = arith.addf %dot_general3A_36, %add3A_40 : vector<2048x32xf32>
    %max3A_42 = arith.constant 0.000000e+00 : f32
    %max3A_43 = vector.broadcast %max3A_42 : f32 to vector<2048x32xf32>
    %max3A_44 = arith.maximumf %add3A_41, %max3A_43 : vector<2048x32xf32>
    %get3A_45 = arith.constant 0 : index
    %get3A_46 = arith.constant 0 : index
    %get3A_47 = vector.load %arg1[%get3A_45, %get3A_46] : memref<2048x32xf32, #tpu.memory_space<vmem>>, vector<2048x32xf32>
    %get3A_48 = arith.constant 0 : index
    %get3A_49 = arith.constant 0 : index
    %get3A_50 = vector.load %arg2[%get3A_48, %get3A_49] : memref<2048x32xf32, #tpu.memory_space<vmem>>, vector<2048x32xf32>
    %mul3A = arith.mulf %get3A_47, %get3A_50 : vector<2048x32xf32>
    %get3A_51 = arith.constant 0 : index
    %get3A_52 = arith.constant 0 : index
    %get3A_53 = vector.load %arg11[%get3A_51, %get3A_52] : memref<64x1xf32, #tpu.memory_space<vmem>>, vector<64x1xf32>
    %slice3A_54 = vector.extract_strided_slice %get3A_53 {offsets = [0, 0], sizes = [32, 1], strides = [1, 1]} : vector<64x1xf32> to vector<32x1xf32>
    %dot_general3A_55 = arith.constant dense<0.000000e+00> : vector<2048x1xf32>
    %dot_general3A_56 = tpu.matmul %mul3A, %slice3A_54, %dot_general3A_55 {dimension_numbers = #tpu.dot_dimension_numbers<[1], [0], [0], [1], [0, 0, 1, 1], [], []>, transpose_lhs_hint = false} : vector<2048x32xf32>, vector<32x1xf32>, vector<2048x1xf32> -> vector<2048x1xf32>
    %slice3A_57 = vector.extract_strided_slice %get3A_53 {offsets = [32, 0], sizes = [32, 1], strides = [1, 1]} : vector<64x1xf32> to vector<32x1xf32>
    %dot_general3A_58 = arith.constant dense<0.000000e+00> : vector<2048x1xf32>
    %dot_general3A_59 = tpu.matmul %max3A_44, %slice3A_57, %dot_general3A_58 {dimension_numbers = #tpu.dot_dimension_numbers<[1], [0], [0], [1], [0, 0, 1, 1], [], []>, transpose_lhs_hint = false} : vector<2048x32xf32>, vector<32x1xf32>, vector<2048x1xf32> -> vector<2048x1xf32>
    %add3A_60 = arith.addf %dot_general3A_56, %dot_general3A_59 : vector<2048x1xf32>
    %get3A_61 = arith.constant 0 : index
    %get3A_62 = arith.constant 0 : index
    %get3A_63 = vector.load %arg12[%get3A_61, %get3A_62] : memref<1x1xf32, #tpu.memory_space<vmem>>, vector<1x1xf32>
    %get3A_64 = vector.extract %get3A_63[0, 0] : f32 from vector<1x1xf32>
    %add3A_65 = vector.broadcast %get3A_64 : f32 to vector<2048x1xf32>
    %add3A_66 = arith.addf %add3A_60, %add3A_65 : vector<2048x1xf32>
    %swap3A = arith.constant 0 : index
    %swap3A_67 = arith.constant 0 : index
    %swap3A_68 = vector.load %arg13[%swap3A, %swap3A_67] : memref<2048x1xf32, #tpu.memory_space<vmem>>, vector<2048x1xf32>
    tpu.vector_store %arg13[%swap3A, %swap3A_67], %add3A_66 {strides = array<i32>} : memref<2048x1xf32, #tpu.memory_space<vmem>>, vector<2048x1xf32>,
    return
  }
  func.func @transform_0(%arg0: i32) -> (i32, i32) {
    %c0_i32 = arith.constant 0 : i32
    %c0_i32_0 = arith.constant 0 : i32
    return %arg0, %c0_i32 : i32, i32
  }
  func.func @transform_1(%arg0: i32) -> (i32, i32) {
    %c0_i32 = arith.constant 0 : i32
    %c0_i32_0 = arith.constant 0 : i32
    return %arg0, %c0_i32 : i32, i32
  }
  func.func @transform_2(%arg0: i32) -> (i32, i32) {
    %c0_i32 = arith.constant 0 : i32
    %c0_i32_0 = arith.constant 0 : i32
    return %arg0, %c0_i32 : i32, i32
  }
  func.func @transform_3(%arg0: i32) -> (i32, i32) {
    %c0_i32 = arith.constant 0 : i32
    %c0_i32_0 = arith.constant 0 : i32
    return %arg0, %c0_i32 : i32, i32
  }
  func.func @transform_4(%arg0: i32) -> (i32, i32) {
    %c0_i32 = arith.constant 0 : i32
    %c0_i32_0 = arith.constant 0 : i32
    %c0_i32_1 = arith.constant 0 : i32
    return %c0_i32, %c0_i32_0 : i32, i32
  }
  func.func @transform_5(%arg0: i32) -> (i32, i32) {
    %c0_i32 = arith.constant 0 : i32
    %c0_i32_0 = arith.constant 0 : i32
    %c0_i32_1 = arith.constant 0 : i32
    return %c0_i32, %c0_i32_0 : i32, i32
  }
  func.func @transform_6(%arg0: i32) -> (i32, i32) {
    %c0_i32 = arith.constant 0 : i32
    %c0_i32_0 = arith.constant 0 : i32
    %c0_i32_1 = arith.constant 0 : i32
    return %c0_i32, %c0_i32_0 : i32, i32
  }
  func.func @transform_7(%arg0: i32) -> (i32, i32) {
    %c0_i32 = arith.constant 0 : i32
    %c0_i32_0 = arith.constant 0 : i32
    %c0_i32_1 = arith.constant 0 : i32
    return %c0_i32, %c0_i32_0 : i32, i32
  }
  func.func @transform_8(%arg0: i32) -> (i32, i32) {
    %c0_i32 = arith.constant 0 : i32
    %c0_i32_0 = arith.constant 0 : i32
    %c0_i32_1 = arith.constant 0 : i32
    return %c0_i32, %c0_i32_0 : i32, i32
  }
  func.func @transform_9(%arg0: i32) -> (i32, i32) {
    %c0_i32 = arith.constant 0 : i32
    %c0_i32_0 = arith.constant 0 : i32
    %c0_i32_1 = arith.constant 0 : i32
    return %c0_i32, %c0_i32_0 : i32, i32
  }
  func.func @transform_10(%arg0: i32) -> (i32, i32) {
    %c0_i32 = arith.constant 0 : i32
    %c0_i32_0 = arith.constant 0 : i32
    %c0_i32_1 = arith.constant 0 : i32
    return %c0_i32, %c0_i32_0 : i32, i32
  }
  func.func @transform_11(%arg0: i32) -> (i32, i32) {
    %c0_i32 = arith.constant 0 : i32
    %c0_i32_0 = arith.constant 0 : i32
    %c0_i32_1 = arith.constant 0 : i32
    return %c0_i32, %c0_i32_0 : i32, i32
  }
  func.func @transform_12(%arg0: i32) -> (i32, i32) {
    %c0_i32 = arith.constant 0 : i32
    %c0_i32_0 = arith.constant 0 : i32
    return %arg0, %c0_i32 : i32, i32
  }
}

</mosaic_0001>

<sc_bundles>
// kernel: gather_offload_async_start.1
scs
__scs_entry_jumppad:
0x0: {  	(pc) =	sbr.rel $0x88, $3  }
0x1: {  	(tag) =	ssettag $0x0;
	lr =	simm.s32 $0x1  }
0x2: {  	[smem:$0x3F93] =	sst lr;
	_ =	strace $0xD0000000  }
0x3: {  	_ = 	snop  }
0x4: {  	_ = 	snop  }
0x5: {  	_ = 	snop  }
0x6: {  	_ = 	snop  }
0x7: {  	_ = 	snop  }
__scs_overlays_trampoline_lowered:
0x8: {  	[smem:$0x3FA2] =	sst s0  }
0x9: {  	[smem:$0x3FA3] =	sst s1  }
0xa: {  	[smem:$0x3FA4] =	sst s2  }
0xb: {  	[smem:$0x3FA5] =	sst s3  }
0xc: {  	[smem:$0x3FA6] =	sst s4  }
0xd: {  	[smem:$0x3FA7] =	sst s5  }
0xe: {  	[smem:$0x3FA8] =	sst s6  }
0xf: {  	[smem:$0x3FA9] =	sst s7  }
0x10: {  	[smem:$0x3FAA] =	sst s8  }
0x11: {  	[smem:$0x3FAB] =	sst s9;
	s0 =	simm.s32 @!p0 $0x0  }
0x12: {  	s1 =	sld [smem:$0x3F91];
	s0 =	simm.s32 @p0 $0x1  }
0x13: {  	[smem:$0x3FAC] =	sst s0;
	s0 =	simm.s32 @!p1 $0x0  }
0x14: {  	s2 =	sld [smem:$0x3F90];
	s0 =	simm.s32 @p1 $0x1  }
0x15: {  	[smem:$0x3FAD] =	sst s0;
	s0 =	simm.s32 @!p2 $0x0  }
0x16: {  	s3 =	sld [smem:$0x3FDB];
	s0 =	simm.s32 @p2 $0x1  }
0x17: {  	s4 =	simm.s32 $0x1BF5;
	[smem:$0x3FAF] =	sst s0  }
0x18: {  	s0 =	sld [smem:$0x3F92];
	_ =	swait.ge [sflag:s4], $0x0  }
0x19: {  	s7 =	sld [smem:$0x3F93]  }
0x1a: {  	s8 =	sadd.s32 $0xFFFFE003, lr  }
0x1b: {  	s9 =	sadd.s32 $0xFFFFFEF7, lr;
	s5 =	simm.s32 $0xFFFFFFFF;
	p2 =	slt.u32 s8, $0xFFFFF086  }
0x1c: {  	p1 =	slt.u32 s9, $0xF7A;
	s5 =	simm.s32 @!p2 $0x0  }
0x1d: {  	s5 =	simm.s32 @p1 $0x1;
	p0 =	seq.s32 s7, s2  }
0x1e: {  	s7 =	smul.u32 @!p0 $0xF7A, s2;
	p2 =	seq.s32 @!p0 s5, $0x0  }
0x1f: {  	s9 =	smul.u32 $0xF7A, s1;
	s8 =	simm.s32 @!p0 $0x1BF5;
	p2 =	por !p2, p0  }
0x20: {  	[sflag:s8] =	ssyncset.s32 @!p0 $0xFFFFF086;
	s6 =	sadd.s32 @!p0 s3, s7;
	s7 =	simm.s32 @!p0 $0x108  }
0x21: {  	s3 =	sadd.s32 s3, s9;
	s6 =	sadd.s32 @!p0 $0x88, s6;
	s7 =	simm.s32 @p2 $0x1082  }
0x22: {  	[simem:s7], [sflag:s8] =	dma.local @!p0 [hbm:s6], $0xF7A  }
0x23: {  	s9 =	sor.u32 $0xD0000000, s2;
	s6 =	simm.s32 $0x108;
	_ =	swait.ge @!p0 [sflag:s8], $0x0  }
0x24: {  	s3 =	sadd.s32 $0x88, s3;
	s6 =	simm.s32 @!p1 $0x1082;
	[sflag:s4] =	ssyncset.s32 $0xFFFFF086  }
0x25: {  	[simem:s6], [sflag:s4] =	dma.local [hbm:s3], $0xF7A  }
0x26: {  	[smem:$0x3F93] =	sst s1;
	(tag) =	ssettag s2;
	_ =	strace s9  }
0x27: {  	s1 =	sld [smem:$0x3FA3]  }
0x28: {  	s2 =	sld [smem:$0x3FA4]  }
0x29: {  	s4 =	sld [smem:$0x3FA6]  }
0x2a: {  	p0 =	seq.s32 s5, $0x0;
	s5 =	sld [smem:$0x3FA7]  }
0x2b: {  	s6 =	sld [smem:$0x3FA8]  }
0x2c: {  	s7 =	sld [smem:$0x3FA9]  }
0x2d: {  	s3 =	simm.s32 $0x108;
	s8 =	sld [smem:$0x3FAA]  }
0x2e: {  	s3 =	simm.s32 @!p0 $0x1082;
	s9 =	sld [smem:$0x3FAB]  }
0x2f: {  	lr =	sadd.s32 s0, s3;
	s0 =	sld [smem:$0x3FA2]  }
0x30: {  	s3 =	sld [smem:$0x3FA5]  }
0x31: {  	[smem:$0x3FAE] =	sst s10  }
0x32: {  	s10 =	sld [smem:$0x3FAC];
	_ =	sdelay $0x3  }
0x33: {  	p0 =	seq.s32 s10, $0x1;
	s10 =	sld [smem:$0x3FAE];
	_ =	sdelay $0x3  }
0x34: {  	[smem:$0x3FAE] =	sst s10  }
0x35: {  	s10 =	sld [smem:$0x3FAD];
	_ =	sdelay $0x3  }
0x36: {  	p1 =	seq.s32 s10, $0x1;
	s10 =	sld [smem:$0x3FAE];
	_ =	sdelay $0x3  }
0x37: {  	[smem:$0x3FAE] =	sst s10  }
0x38: {  	s10 =	sld [smem:$0x3FAF]  }
0x39: {  	_ = 	snop;
	(pc) =	sbr.ind lr, $3  }
0x3a: {  	_ = 	snop  }
0x3b: {  	_ = 	snop  }
0x3c: {  	p2 =	seq.s32 s10, $0x1;
	s10 =	sld [smem:$0x3FAE]  }
0x3d: {  	_ =	shalt  }
0x3e: {  	_ =	shalt  }
0x3f: {  	_ =	shalt  }
0x40: {  	_ =	shalt  }
0x41: {  	_ =	shalt  }
0x42: {  	_ =	shalt  }
0x43: {  	_ =	shalt  }
0x44: {  	_ =	shalt  }
0x45: {  	_ =	shalt  }
0x46: {  	_ =	shalt  }
0x47: {  	_ =	shalt  }
0x48: {  	_ =	shalt  }
0x49: {  	_ =	shalt  }
0x4a: {  	_ =	shalt  }
0x4b: {  	_ =	shalt  }
0x4c: {  	_ =	shalt  }
0x4d: {  	_ =	shalt  }
0x4e: {  	_ =	shalt  }
0x4f: {  	_ =	shalt  }
0x50: {  	_ =	shalt  }
0x51: {  	_ =	shalt  }
0x52: {  	_ =	shalt  }
0x53: {  	_ =	shalt  }
0x54: {  	_ =	shalt  }
0x55: {  	_ =	shalt  }
0x56: {  	_ =	shalt  }
0x57: {  	_ =	shalt  }
0x58: {  	_ =	shalt  }
0x59: {  	_ =	shalt  }
0x5a: {  	_ =	shalt  }
0x5b: {  	_ =	shalt  }
0x5c: {  	_ =	shalt  }
0x5d: {  	_ =	shalt  }
0x5e: {  	_ =	shalt  }
0x5f: {  	_ =	shalt  }
0x60: {  	_ =	shalt  }
0x61: {  	_ =	shalt  }
0x62: {  	_ =	shalt  }
0x63: {  	_ =	shalt  }
0x64: {  	_ =	shalt  }
0x65: {  	_ =	shalt  }
0x66: {  	_ =	shalt  }
0x67: {  	_ =	shalt  }
0x68: {  	_ =	shalt  }
0x69: {  	_ =	shalt  }
0x6a: {  	_ =	shalt  }
0x6b: {  	_ =	shalt  }
0x6c: {  	_ =	shalt  }
0x6d: {  	_ =	shalt  }
0x6e: {  	_ =	shalt  }
0x6f: {  	_ =	shalt  }
0x70: {  	_ =	shalt  }
0x71: {  	_ =	shalt  }
0x72: {  	_ =	shalt  }
0x73: {  	_ =	shalt  }
0x74: {  	_ =	shalt  }
0x75: {  	_ =	shalt  }
0x76: {  	_ =	shalt  }
0x77: {  	_ =	shalt  }
0x78: {  	_ =	shalt  }
0x79: {  	_ =	shalt  }
0x7a: {  	_ =	shalt  }
0x7b: {  	_ =	shalt  }
0x7c: {  	_ =	shalt  }
0x7d: {  	_ =	shalt  }
0x7e: {  	_ =	shalt  }
0x7f: {  	_ =	shalt  }
0x80: {  	_ =	shalt  }
0x81: {  	_ =	shalt  }
0x82: {  	_ =	shalt  }
0x83: {  	_ =	shalt  }
0x84: {  	_ =	shalt  }
0x85: {  	_ =	shalt  }
0x86: {  	_ =	shalt  }
0x87: {  	_ =	shalt  }
.Lfunc_end0:
.L_simem_size_0:
called_computation.1_lowered:
.L_overlay_start_0:
0x88: {  	s2 =	sld [smem:$0x3FD9]  }
0x89: {  	s3 =	sld [smem:$0x3FFE];
	_ =	sdelay $0x1  }
0x8a: {  	s1 =	srdreg.scid  }
0x8b: {  	s0 =	sand.u32 $0x1, s1  }
0x8c: {  	s17 =	sshll.u32 s0, $0xA;
	s2 =	sadd.s32 s3, s2  }
0x8d: {  	s2 =	sadd.s32 s2, s17  }
0x8e: {  	[smem:$0x3FBA] =	sst s2  }
0x8f: {  	_ = 	snop  }
0x90: {  	s18 =	sld [smem:$0x3FC6];
	(tm) =	ssettm $0x1  }
0x91: {  	s19 =	sld [smem:$0x3FFB];
	_ =	sdelay $0x3  }
0x92: {  	_ =	strace s19  }
0x93: {  	s2 =	sld [smem:$0x3FFC];
	_ =	sdelay $0x3  }
0x94: {  	_ =	strace s2  }
0x95: {  	s2 =	sld [smem:$0x3FFD];
	_ =	sdelay $0x3  }
0x96: {  	_ =	strace s2  }
0x97: {  	_ =	strace $0x8FFFFFFF  }
0x98: {  	s20 =	sld [smem:$0x3FDB];
	_ =	sdelay $0x1  }
0x99: {  	s4 =	simm.s32 $_scs_section_size  }
0x9a: {  	s5 =	simm.s32 $_size__tile_overlayer_lowered;
	s6 =	simm.s32 $_tile_overlayer_lowered  }
0x9b: {  	s7 =	simm.s32 $0x1BFF;
	s21 =	sshll.u32 s6, $0x1;
	s4 =	sadd.s32 s4, s20  }
0x9c: {  	s22 =	simm.s32 $0x0;
	s5 =	sshll.u32 s5, $0x1;
	s6 =	sadd.s32 s21, s4  }
0x9d: {  	[timem:s22], [sflag:s7] =	dma.local [hbm:s6], s5  }
0x9e: {  	_ =	swait.ge [sflag:s7], s5  }
0x9f: {  	s5 =	ssub.s32 $0x0, s5;
	[sflag:s7] =	ssyncset.done $0x0  }
0xa0: {  	[sflag:s7] =	ssyncadd.s32 s5;
	_ =	sdelay $0x1  }
0xa1: {  	s23 =	simm.s32 $0x1B8B  }
0xa2: {  	_ =	swait.ge [sflag:s23], $0x1  }
0xa3: {  	[sflag:s23] =	ssyncset.done $0x0  }
0xa4: {  	[sflag:s23] =	ssyncadd.s32 $0xFFFFFFFF  }
0xa5: {  	s5 =	sld [smem:$0x0]  }
0xa6: {  	s6 =	sand.u32 $0xFFFFFFFE, s1  }
0xa7: {  	p0 =	sne.s32 s1, s6  }
0xa8: {  	s6 =	sshll.u32 @p0 s6, $0xE  }
0xa9: {  	s6 =	sadd.s32 @p0 $0x11B8D, s6;
	s7 =	sshll.u32 @p0 s5, $0x11  }
0xaa: {  	s6 =	sor.u32 @p0 s7, s6  }
0xab: {  	[sflag:s6] =	ssyncadd.remote.s32 @p0 $0x1;
	_ =	sdelay $0x1  }
0xac: {  	s6 =	simm.s32 @p0 $0x1B8D  }
0xad: {  	_ =	swait.eq @p0 [sflag:s6], $0x1  }
0xae: {  	[sflag:s6] =	ssyncadd.s32 @p0 $0xFFFFFFFF  }
0xaf: {  	s7 =	sshll.u32 @!p0 s1, $0xE  }
0xb0: {  	s7 =	sor.u32 @!p0 $0x4000, s7;
	s6 =	simm.s32 @!p0 $0x1B8D  }
0xb1: {  	s5 =	sshll.u32 @!p0 s5, $0x11;
	s7 =	sadd.s32 @!p0 $0x11B8D, s7;
	_ =	swait.eq @!p0 [sflag:s6], $0x1  }
0xb2: {  	s5 =	sor.u32 @!p0 s5, s7;
	[sflag:s6] =	ssyncadd.s32 @!p0 $0xFFFFFFFF  }
0xb3: {  	s25 =	simm.s32 $0x1B8E;
	s24 =	sld [smem:$0x3FFE];
	[sflag:s5] =	ssyncadd.remote.s32 @!p0 $0x1  }
0xb4: {  	s26 =	simm.s32 $execute0_lowered;
	[smem:$0x3FD2] =	sst s25  }
0xb5: {  	s6 =	sshll.u32 s26, $0x1;
	_ =	strace $0x80000049;
	[dreg:$0x1] =	wrdreg $0xFFFFFFFF  }
0xb6: {  	s28 =	simm.s32 $_size_execute0_lowered;
	s4 =	sadd.s32 s4, s6;
	[dreg:$0x0] =	wrdreg $0x0  }
0xb7: {  	s6 =	sshll.u32 s28, $0x1;
	[dreg:$0x2] =	wrdreg s4  }
0xb8: {  	[dreg:$0x3] =	wrdreg s6  }
0xb9: {  	[dreg:$0x4] =	wrdreg $0xC0  }
0xba: {  	_ =	task [dreg:s22], $0x5FFFF  }
0xbb: {  	[dreg:$0x1] =	wrdreg $0xFFFFFFFF  }
0xbc: {  	[dreg:$0x0] =	wrdreg $0x60  }
0xbd: {  	[dreg:$0x2] =	wrdreg s18  }
0xbe: {  	[dreg:$0x3] =	wrdreg s24  }
0xbf: {  	[dreg:$0x4] =	wrdreg $0xA  }
0xc0: {  	_ =	task.clear_ibuf [dreg:s22], $0x5FFFF;
	_ =	strace $0x90000049  }
0xc1: {  	s29 =	simm.s32 $0xA;
	_ =	strace $0x8000004B  }
0xc2: {  	_ =	swait.ge [sflag:s29], $0x1  }
0xc3: {  	[sflag:s29] =	ssyncadd.s32 $0xFFFFFFFF  }
0xc4: {  	_ =	strace $0x9000004B  }
0xc5: {  	_ =	sfence  }
0xc6: {  	s30 =	sld [smem:$0x0];
	_ =	sdelay $0x2  }
0xc7: {  	s31 =	sshll.u32 s1, $0xD;
	s1 =	sshrl.u32 s1, $0x2  }
0xc8: {  	s4 =	sand.u32 $0x4000, s31;
	s1 =	sadd.s32 s1, s30  }
0xc9: {  	s0 =	sor.u32 s4, s0;
	s1 =	sshll.u32 s1, $0x11  }
0xca: {  	s0 =	sor.u32 s1, s0  }
0xcb: {  	s0 =	sadd.s32 $0x8F2B, s0  }
0xcc: {  	[sflag:s0] =	ssyncadd.remote.s32 $0x1  }
0xcd: {  	_ =	sfence.sel $0xFFFF  }
0xce: {  	[dreg:$0x0] =	wrdreg $0xFFFFFFFF;
	(pc) =	sbr.abs _section_cstart, $3  }
0xcf: {  	[dreg:$0x1] =	wrdreg $0xFFFFFFFF  }
0xd0: {  	_ =	task.clear_ibuf [dreg:s22], $0x2FFFF;
	_ =	strace $0x9FFFFFFF  }
0xd1: {  	(tm) =	ssettm $0x7FFFFFFF  }
tec
execute0_lowered:
.L_overlay_start_1:
0x0: {  	(tag) =	ssettag $0x1  }
0x1: {  	s1 =	srdreg.scid  }
0x2: {  	s2 =	rddreg [dreg:$0x0];
	s0 =	stileid.u32  }
0x3: {  	s11 =	rddreg [dreg:$0x1];
	s5 =	simm.s32 $0x2;
	s1 =	sshll.u32 s1, $0x9  }
0x4: {  	s9 =	simm.s32 $0x3;
	s3 =	sshll.u32 s0, $0xA;
	s4 =	sand.u32 $0x200, s1  }
0x5: {  	s13 =	simm.s32 $0x0;
	s15 =	simm.s32 $0x0;
	s3 =	sor.u32 s3, s4  }
0x6: {  	s14 =	simm.s32 $0x0;
	s1 =	rddreg [dreg:$0x2];
	s4 =	sshrl.u32 s3, $0x3  }
0x7: {  	_ =	strace $0x8000004A;
	s6 =	ssub.s32 $0x4000, s3;
	s8 =	sadd.s32 s4, s11  }
0x8: {  	s4 =	simm.s32 $0x1;
	s7 =	sand.u32 $0x3E00, s6;
	s10 =	sshrl.u32 s6, $0xE  }
.Ltmp0:
0x9: {  	s6 =	sadd.s32 $0x12400, s11;
	[sflag:s4] =	ssyncpa.u1 $0x0;
	(pc) =	sbr.rel .LBB2_1-.Ltmp0, $4  }
0xa: {  	p0 =	sne.s32 s7, $0x0;
	s7 =	simm.s32 $0x1;
	s8 =	sadd.s32 $0x11C00, s8  }
0xb: {  	[sflag:s5] =	ssyncpa.u1 $0x0;
	s7 =	simm.s32 @!p0 $0x0;
	p0 =	por $0x0, $0x0  }
0xc: {  	[sflag:s9] =	ssyncpa.u1 $0x0;
	s7 =	sadd.s32 s7, s10;
	s9 =	sadd.s32 $0x16400, s11  }
0xd: {  	vm0 =	vmmov $0xffff;
	s10 =	sadd.s32 $0x1A400, s11;
	s11 =	sadd.s32 $0x1E400, s11;
	s12 =	sadd.s32 $0x1, s7  }
.LBB2_4:
0xe: {  	_ =	sdelay $0x3  }
0xf: {  	[tilespmem:s21], [sflag:$0x1] =	stream.indirect_vreg.gather [hbm4b:s2+s13], $0x1, v0, vm0, $0x4038;
	[tilespmem:$0x8400] =	vst v63  }
0x10: {  	s18 =	sshll.u32 s15, $0x3  }
0x11: {  	s24 =	sand.u32 $0x78, s15;
	s18 =	sand.u32 $0x7FFFFC00, s18  }
0x12: {  	_ =	swait.ge [sflag:s4], $0x4000;
	s15 =	sor.u32 s24, s18  }
0x13: {  	[sflag:s4] =	ssyncset.done $0x0;
	s15 =	sshrl.u32 s15, $0x3  }
0x14: {  	[sflag:s4] =	ssyncadd.s32 $0xFFFFC000;
	s25 =	sadd.s32 s6, s15  }
0x15: {  	[hbm:s25] =	stream.linear.scatter [tilespmem:s17], [sflag:$0x3], $0x1000, $0x38;
	[tilespmem:$0x8400] =	vst v63  }
0x16: {  	s26 =	sadd.s32 $0x1400, s16;
	s28 =	sadd.s32 s15, s9  }
0x17: {  	[hbm:s28] =	stream.linear.scatter [tilespmem:s26], [sflag:$0x3], $0x1000, $0x38;
	[tilespmem:$0x8400] =	vst v63  }
0x18: {  	s29 =	sadd.s32 $0x2400, s16;
	s30 =	sadd.s32 s15, s10  }
0x19: {  	[hbm:s30] =	stream.linear.scatter [tilespmem:s29], [sflag:$0x3], $0x1000, $0x38;
	[tilespmem:$0x8400] =	vst v63  }
0x1a: {  	s31 =	sadd.s32 $0x3400, s16;
	s15 =	sadd.s32 s15, s11  }
0x1b: {  	[hbm:s15] =	stream.linear.scatter [tilespmem:s31], [sflag:$0x3], $0x1000, $0x38;
	[tilespmem:$0x8400] =	vst v63  }
.LBB2_5:
0x1c: {  	p2 =	sne.s32 s14, s12  }
.Ltmp1:
0x1d: {  	p1 =	slt.u32 s14, $0x2;
	(pc) =	sbr.rel @!p2 .LBB2_6-.Ltmp1, $4  }
0x1e: {  	s15 =	simm.s32 @!p1 $0x3  }
0x1f: {  	_ =	swait.ge @!p1 [sflag:s15], $0x4000  }
0x20: {  	s16 =	sadd.s32 $0x1, s14;
	p0 =	por !p0, !p0;
	[sflag:s15] =	ssyncset.done @!p1 $0x0  }
0x21: {  	s14 =	smov.u32 s16;
	[sflag:s15] =	ssyncadd.s32 @!p1 $0xFFFFC000;
	s15 =	smov.u32 s3  }
.LBB2_1:
0x22: {  	p1 =	sge.u32 s14, s7  }
0x23: {  	s16 =	sxor.u32 @!p1 $0xFFFFFFFF, s14  }
0x24: {  	s16 =	sshll.u32 @!p1 s16, $0x9  }
0x25: {  	s31 =	sadd.s32 $0xFFFFFFFF, s14;
	s17 =	simm.s32 @!p1 $0x0;
	s16 =	sand.u32 @!p1 $0x200, s16  }
0x26: {  	[tilespmem:s16], [sflag:$0x2] =	stream.linear.gather @!p1 [hbm4b:s8+s17], $0x200, $0x38;
	[tilespmem:$0x8400] =	vst v63  }
0x27: {  	p1 =	sge.u32 s31, s7  }
.Ltmp2:
0x28: {  	_ = 	snop;
	(pc) =	sbr.rel @p1 .LBB2_5-.Ltmp2, $1  }
0x29: {  	_ =	sdelay $0x3  }
0x2a: {  	s16 =	simm.s32 $0x1;
	_ =	swait.ge [sflag:s5], $0x200  }
0x2b: {  	s16 =	simm.s32 @!p0 $0x0;
	[sflag:s5] =	ssyncset.done $0x0  }
0x2c: {  	s19 =	sshll.u32 s16, $0x9;
	[sflag:s5] =	ssyncadd.s32 $0xFFFFFE00  }
0x2d: {  	v0 =	vld.msk [tilespmem:s19+$0x0 ss:$0x1], $0xffff;
	_ =	sdelay $0x4  }
0x2e: {  	vm1 =	vgt.s32 v0, $0x0  }
0x2f: {  	v0 =	vnsel vm1, $0x0, v0  }
0x30: {  	v0 =	vmin.u32 v0, $0xF423F  }
0x31: {  	v1 =	vshll.u32 v0, $0x3  }
0x32: {  	v0 =	vand.u32 $0x7F, v0;
	v1 =	vand.u32 $0x7FFC00, v1  }
0x33: {  	s22 =	sshll.u32 s14, $0xE;
	v0 =	vor.u32 v0, v1  }
0x34: {  	s18 =	simm.s32 $0x0;
	s16 =	sand.u32 $0x4000, s22  }
0x35: {  	s20 =	sand.u32 $0xC00, s18;
	s17 =	sor.u32 $0x400, s16  }
0x36: {  	s21 =	sand.u32 $0x70, s18;
	(ifvalue) =	ssetifvalue $0x7FFFFFFF;
	s20 =	sadd.s32 s20, s17;
	v1 =	vor.u32 $0x80, v0  }
0x37: {  	(ifvalue) =	ssetifvalue $0x7FFFFFFF;
	s20 =	sadd.s32 s21, s20  }
0x38: {  	[tilespmem:s20], [sflag:$0x1] =	stream.indirect_vreg.gather [hbm4b:s2+s13], $0x1, v0, vm0, $0x4038;
	[tilespmem:$0x8400] =	vst v63  }
0x39: {  	v2 =	vor.u32 $0x100, v0;
	(ifvalue) =	ssetifvalue $0x7FFFFFFF  }
0x3a: {  	s21 =	sadd.s32 $0x80, s20;
	(ifvalue) =	ssetifvalue $0x7FFFFFFF  }
0x3b: {  	[tilespmem:s21], [sflag:$0x1] =	stream.indirect_vreg.gather [hbm4b:s2+s13], $0x1, v1, vm0, $0x4038;
	[tilespmem:$0x8400] =	vst v63  }
0x3c: {  	v1 =	vor.u32 $0x180, v0;
	(ifvalue) =	ssetifvalue $0x7FFFFFFF  }
0x3d: {  	s23 =	sadd.s32 $0x100, s20;
	(ifvalue) =	ssetifvalue $0x7FFFFFFF  }
0x3e: {  	[tilespmem:s23], [sflag:$0x1] =	stream.indirect_vreg.gather [hbm4b:s2+s13], $0x1, v2, vm0, $0x4038;
	[tilespmem:$0x8400] =	vst v63  }
0x3f: {  	v2 =	vor.u32 $0x200, v0;
	(ifvalue) =	ssetifvalue $0x7FFFFFFF  }
0x40: {  	s24 =	sadd.s32 $0x180, s20;
	(ifvalue) =	ssetifvalue $0x7FFFFFFF  }
0x41: {  	[tilespmem:s24], [sflag:$0x1] =	stream.indirect_vreg.gather [hbm4b:s2+s13], $0x1, v1, vm0, $0x4038;
	[tilespmem:$0x8400] =	vst v63  }
0x42: {  	(ifvalue) =	ssetifvalue $0x7FFFFFFF;
	v1 =	vor.u32 $0x280, v0  }
0x43: {  	s25 =	sadd.s32 $0x200, s20;
	(ifvalue) =	ssetifvalue $0x7FFFFFFF  }
0x44: {  	[tilespmem:s25], [sflag:$0x1] =	stream.indirect_vreg.gather [hbm4b:s2+s13], $0x1, v2, vm0, $0x4038;
	[tilespmem:$0x8400] =	vst v63  }
0x45: {  	(ifvalue) =	ssetifvalue $0x7FFFFFFF;
	v2 =	vor.u32 $0x300, v0  }
0x46: {  	s26 =	sadd.s32 $0x280, s20;
	(ifvalue) =	ssetifvalue $0x7FFFFFFF  }
0x47: {  	[tilespmem:s26], [sflag:$0x1] =	stream.indirect_vreg.gather [hbm4b:s2+s13], $0x1, v1, vm0, $0x4038;
	[tilespmem:$0x8400] =	vst v63  }
0x48: {  	(ifvalue) =	ssetifvalue $0x7FFFFFFF;
	v1 =	vor.u32 $0x380, v0  }
0x49: {  	s18 =	sor.u32 s18, s18;
	s28 =	sadd.s32 $0x300, s20;
	(ifvalue) =	ssetifvalue $0x7FFFFFFF  }
0x4a: {  	[tilespmem:s28], [sflag:$0x1] =	stream.indirect_vreg.gather [hbm4b:s2+s13], $0x1, v2, vm0, $0x4038;
	[tilespmem:$0x8400] =	vst v63  }
0x4b: {  	s18 =	sor.u32 $0x380, s18;
	(ifvalue) =	ssetifvalue $0x7FFFFFFF;
	v2 =	vadd.s32 $0x7A1400, v0  }
0x4c: {  	s18 =	sadd.s32 s18, s17;
	(ifvalue) =	ssetifvalue $0x7FFFFFFF  }
0x4d: {  	[tilespmem:s18], [sflag:$0x1] =	stream.indirect_vreg.gather [hbm4b:s2+s13], $0x1, v1, vm0, $0x4038;
	[tilespmem:$0x8400] =	vst v63  }
0x4e: {  	(ifvalue) =	ssetifvalue $0x7FFFFFFF;
	v1 =	vadd.s32 $0x7A1480, v0  }
0x4f: {  	s29 =	sadd.s32 $0x1000, s20;
	(ifvalue) =	ssetifvalue $0x7FFFFFFF  }
0x50: {  	[tilespmem:s29], [sflag:$0x1] =	stream.indirect_vreg.gather [hbm4b:s2+s13], $0x1, v2, vm0, $0x4038;
	[tilespmem:$0x8400] =	vst v63  }
0x51: {  	(ifvalue) =	ssetifvalue $0x7FFFFFFF;
	v2 =	vadd.s32 $0x7A1500, v0  }
0x52: {  	s30 =	sadd.s32 $0x1080, s20;
	(ifvalue) =	ssetifvalue $0x7FFFFFFF  }
0x53: {  	[tilespmem:s30], [sflag:$0x1] =	stream.indirect_vreg.gather [hbm4b:s2+s13], $0x1, v1, vm0, $0x4038;
	[tilespmem:$0x8400] =	vst v63  }
0x54: {  	(ifvalue) =	ssetifvalue $0x7FFFFFFF;
	v1 =	vadd.s32 $0x7A1580, v0  }
0x55: {  	s31 =	sadd.s32 $0x1100, s20;
	(ifvalue) =	ssetifvalue $0x7FFFFFFF  }
0x56: {  	[tilespmem:s31], [sflag:$0x1] =	stream.indirect_vreg.gather [hbm4b:s2+s13], $0x1, v2, vm0, $0x4038;
	[tilespmem:$0x8400] =	vst v63  }
0x57: {  	(ifvalue) =	ssetifvalue $0x7FFFFFFF;
	v2 =	vadd.s32 $0x7A1600, v0  }
0x58: {  	s21 =	sadd.s32 $0x1180, s20;
	(ifvalue) =	ssetifvalue $0x7FFFFFFF  }
0x59: {  	[tilespmem:s21], [sflag:$0x1] =	stream.indirect_vreg.gather [hbm4b:s2+s13], $0x1, v1, vm0, $0x4038;
	[tilespmem:$0x8400] =	vst v63  }
0x5a: {  	(ifvalue) =	ssetifvalue $0x7FFFFFFF;
	v1 =	vadd.s32 $0x7A1680, v0  }
0x5b: {  	s22 =	sadd.s32 $0x1200, s20;
	(ifvalue) =	ssetifvalue $0x7FFFFFFF  }
0x5c: {  	[tilespmem:s22], [sflag:$0x1] =	stream.indirect_vreg.gather [hbm4b:s2+s13], $0x1, v2, vm0, $0x4038;
	[tilespmem:$0x8400] =	vst v63  }
0x5d: {  	(ifvalue) =	ssetifvalue $0x7FFFFFFF;
	v2 =	vadd.s32 $0x7A1700, v0  }
0x5e: {  	s23 =	sadd.s32 $0x1280, s20;
	(ifvalue) =	ssetifvalue $0x7FFFFFFF  }
0x5f: {  	[tilespmem:s23], [sflag:$0x1] =	stream.indirect_vreg.gather [hbm4b:s2+s13], $0x1, v1, vm0, $0x4038;
	[tilespmem:$0x8400] =	vst v63  }
0x60: {  	(ifvalue) =	ssetifvalue $0x7FFFFFFF;
	v1 =	vadd.s32 $0x7A1780, v0  }
0x61: {  	s24 =	sadd.s32 $0x1300, s20;
	(ifvalue) =	ssetifvalue $0x7FFFFFFF  }
0x62: {  	[tilespmem:s24], [sflag:$0x1] =	stream.indirect_vreg.gather [hbm4b:s2+s13], $0x1, v2, vm0, $0x4038;
	[tilespmem:$0x8400] =	vst v63  }
0x63: {  	(ifvalue) =	ssetifvalue $0x7FFFFFFF;
	v2 =	vadd.s32 $0xF42800, v0  }
0x64: {  	s25 =	sadd.s32 $0x1380, s20;
	(ifvalue) =	ssetifvalue $0x7FFFFFFF  }
0x65: {  	[tilespmem:s25], [sflag:$0x1] =	stream.indirect_vreg.gather [hbm4b:s2+s13], $0x1, v1, vm0, $0x4038;
	[tilespmem:$0x8400] =	vst v63  }
0x66: {  	(ifvalue) =	ssetifvalue $0x7FFFFFFF;
	v1 =	vadd.s32 $0xF42880, v0  }
0x67: {  	s26 =	sadd.s32 $0x2000, s20;
	(ifvalue) =	ssetifvalue $0x7FFFFFFF  }
0x68: {  	[tilespmem:s26], [sflag:$0x1] =	stream.indirect_vreg.gather [hbm4b:s2+s13], $0x1, v2, vm0, $0x4038;
	[tilespmem:$0x8400] =	vst v63  }
0x69: {  	(ifvalue) =	ssetifvalue $0x7FFFFFFF;
	v2 =	vadd.s32 $0xF42900, v0  }
0x6a: {  	s28 =	sadd.s32 $0x2080, s20;
	(ifvalue) =	ssetifvalue $0x7FFFFFFF  }
0x6b: {  	[tilespmem:s28], [sflag:$0x1] =	stream.indirect_vreg.gather [hbm4b:s2+s13], $0x1, v1, vm0, $0x4038;
	[tilespmem:$0x8400] =	vst v63  }
0x6c: {  	(ifvalue) =	ssetifvalue $0x7FFFFFFF;
	v1 =	vadd.s32 $0xF42980, v0  }
0x6d: {  	s29 =	sadd.s32 $0x2100, s20;
	(ifvalue) =	ssetifvalue $0x7FFFFFFF  }
0x6e: {  	[tilespmem:s29], [sflag:$0x1] =	stream.indirect_vreg.gather [hbm4b:s2+s13], $0x1, v2, vm0, $0x4038;
	[tilespmem:$0x8400] =	vst v63  }
0x6f: {  	(ifvalue) =	ssetifvalue $0x7FFFFFFF;
	v2 =	vadd.s32 $0xF42A00, v0  }
0x70: {  	s30 =	sadd.s32 $0x2180, s20;
	(ifvalue) =	ssetifvalue $0x7FFFFFFF  }
0x71: {  	[tilespmem:s30], [sflag:$0x1] =	stream.indirect_vreg.gather [hbm4b:s2+s13], $0x1, v1, vm0, $0x4038;
	[tilespmem:$0x8400] =	vst v63  }
0x72: {  	(ifvalue) =	ssetifvalue $0x7FFFFFFF;
	v1 =	vadd.s32 $0xF42A80, v0  }
0x73: {  	s31 =	sadd.s32 $0x2200, s20;
	(ifvalue) =	ssetifvalue $0x7FFFFFFF  }
0x74: {  	[tilespmem:s31], [sflag:$0x1] =	stream.indirect_vreg.gather [hbm4b:s2+s13], $0x1, v2, vm0, $0x4038;
	[tilespmem:$0x8400] =	vst v63  }
0x75: {  	(ifvalue) =	ssetifvalue $0x7FFFFFFF;
	v2 =	vadd.s32 $0xF42B00, v0  }
0x76: {  	s21 =	sadd.s32 $0x2280, s20;
	(ifvalue) =	ssetifvalue $0x7FFFFFFF  }
0x77: {  	[tilespmem:s21], [sflag:$0x1] =	stream.indirect_vreg.gather [hbm4b:s2+s13], $0x1, v1, vm0, $0x4038;
	[tilespmem:$0x8400] =	vst v63  }
0x78: {  	(ifvalue) =	ssetifvalue $0x7FFFFFFF;
	v1 =	vadd.s32 $0xF42B80, v0  }
0x79: {  	s22 =	sadd.s32 $0x2300, s20;
	(ifvalue) =	ssetifvalue $0x7FFFFFFF  }
0x7a: {  	[tilespmem:s22], [sflag:$0x1] =	stream.indirect_vreg.gather [hbm4b:s2+s13], $0x1, v2, vm0, $0x4038;
	[tilespmem:$0x8400] =	vst v63  }
0x7b: {  	(ifvalue) =	ssetifvalue $0x7FFFFFFF;
	v2 =	vadd.s32 $0x16E3C00, v0  }
0x7c: {  	s23 =	sadd.s32 $0x2380, s20;
	(ifvalue) =	ssetifvalue $0x7FFFFFFF  }
0x7d: {  	[tilespmem:s23], [sflag:$0x1] =	stream.indirect_vreg.gather [hbm4b:s2+s13], $0x1, v1, vm0, $0x4038;
	[tilespmem:$0x8400] =	vst v63  }
0x7e: {  	(ifvalue) =	ssetifvalue $0x7FFFFFFF;
	v1 =	vadd.s32 $0x16E3C80, v0  }
0x7f: {  	s24 =	sadd.s32 $0x3000, s20;
	(ifvalue) =	ssetifvalue $0x7FFFFFFF  }
0x80: {  	[tilespmem:s24], [sflag:$0x1] =	stream.indirect_vreg.gather [hbm4b:s2+s13], $0x1, v2, vm0, $0x4038;
	[tilespmem:$0x8400] =	vst v63  }
0x81: {  	(ifvalue) =	ssetifvalue $0x7FFFFFFF;
	v2 =	vadd.s32 $0x16E3D00, v0  }
0x82: {  	s25 =	sadd.s32 $0x3080, s20;
	(ifvalue) =	ssetifvalue $0x7FFFFFFF  }
0x83: {  	[tilespmem:s25], [sflag:$0x1] =	stream.indirect_vreg.gather [hbm4b:s2+s13], $0x1, v1, vm0, $0x4038;
	[tilespmem:$0x8400] =	vst v63  }
0x84: {  	(ifvalue) =	ssetifvalue $0x7FFFFFFF;
	v1 =	vadd.s32 $0x16E3D80, v0  }
0x85: {  	s26 =	sadd.s32 $0x3100, s20;
	(ifvalue) =	ssetifvalue $0x7FFFFFFF  }
0x86: {  	[tilespmem:s26], [sflag:$0x1] =	stream.indirect_vreg.gather [hbm4b:s2+s13], $0x1, v2, vm0, $0x4038;
	[tilespmem:$0x8400] =	vst v63  }
0x87: {  	(ifvalue) =	ssetifvalue $0x7FFFFFFF;
	v2 =	vadd.s32 $0x16E3E00, v0  }
0x88: {  	s28 =	sadd.s32 $0x3180, s20;
	(ifvalue) =	ssetifvalue $0x7FFFFFFF  }
0x89: {  	[tilespmem:s28], [sflag:$0x1] =	stream.indirect_vreg.gather [hbm4b:s2+s13], $0x1, v1, vm0, $0x4038;
	[tilespmem:$0x8400] =	vst v63  }
0x8a: {  	(ifvalue) =	ssetifvalue $0x7FFFFFFF;
	v1 =	vadd.s32 $0x16E3E80, v0  }
0x8b: {  	s29 =	sadd.s32 $0x3200, s20;
	(ifvalue) =	ssetifvalue $0x7FFFFFFF  }
0x8c: {  	[tilespmem:s29], [sflag:$0x1] =	stream.indirect_vreg.gather [hbm4b:s2+s13], $0x1, v2, vm0, $0x4038;
	[tilespmem:$0x8400] =	vst v63  }
0x8d: {  	(ifvalue) =	ssetifvalue $0x7FFFFFFF;
	v2 =	vadd.s32 $0x16E3F00, v0  }
0x8e: {  	s30 =	sadd.s32 $0x3280, s20;
	(ifvalue) =	ssetifvalue $0x7FFFFFFF  }
0x8f: {  	[tilespmem:s30], [sflag:$0x1] =	stream.indirect_vreg.gather [hbm4b:s2+s13], $0x1, v1, vm0, $0x4038;
	[tilespmem:$0x8400] =	vst v63  }
0x90: {  	v0 =	vadd.s32 $0x16E3F80, v0;
	(ifvalue) =	ssetifvalue $0x7FFFFFFF  }
0x91: {  	s31 =	sadd.s32 $0x3300, s20;
	(ifvalue) =	ssetifvalue $0x7FFFFFFF  }
0x92: {  	[tilespmem:s31], [sflag:$0x1] =	stream.indirect_vreg.gather [hbm4b:s2+s13], $0x1, v2, vm0, $0x4038;
	[tilespmem:$0x8400] =	vst v63  }
0x93: {  	s19 =	sadd.s32 $0x10, s19;
	s18 =	simm.s32 $0x10;
	(ifvalue) =	ssetifvalue $0x7FFFFFFF  }
0x94: {  	s21 =	sadd.s32 $0x3380, s20;
	s20 =	simm.s32 $0x80;
	(ifvalue) =	ssetifvalue $0x7FFFFFFF  }
.LBB2_3:
0x95: {  	[tilespmem:s21], [sflag:$0x1] =	stream.indirect_vreg.gather [hbm4b:s2+s13], $0x1, v0, vm0, $0x4038;
	[tilespmem:$0x8400] =	vst v63  }
0x96: {  	p1 =	sne.s32 s18, $0x1F0;
	s22 =	smov.u32 s18;
	s18 =	sadd.s32 $0x10, s18;
	v0 =	vld.msk [tilespmem:s19+$0x0 ss:$0x1], $0xffff  }
0x97: {  	(ifvalue) =	ssetifvalue $0x7FFFFFFF;
	_ =	sdelay $0x4  }
0x98: {  	vm1 =	vgt.s32 v0, $0x0  }
0x99: {  	v0 =	vnsel vm1, $0x0, v0  }
0x9a: {  	v0 =	vmin.u32 v0, $0xF423F  }
0x9b: {  	v1 =	vshll.u32 v0, $0x3  }
0x9c: {  	v0 =	vand.u32 $0x7F, v0;
	v1 =	vand.u32 $0x7FFC00, v1  }
0x9d: {  	v0 =	vor.u32 v0, v1;
	_ =	sdelay $0x1  }
0x9e: {  	s21 =	sand.u32 $0xC00, s20  }
0x9f: {  	s23 =	sand.u32 $0x70, s22;
	s21 =	sadd.s32 s21, s17;
	v1 =	vor.u32 $0x80, v0  }
0xa0: {  	s21 =	sadd.s32 s23, s21;
	(ifvalue) =	ssetifvalue $0x7FFFFFFF  }
0xa1: {  	[tilespmem:s21], [sflag:$0x1] =	stream.indirect_vreg.gather [hbm4b:s2+s13], $0x1, v0, vm0, $0x4038;
	[tilespmem:$0x8400] =	vst v63  }
0xa2: {  	v2 =	vor.u32 $0x100, v0;
	(ifvalue) =	ssetifvalue $0x7FFFFFFF  }
0xa3: {  	s23 =	sadd.s32 $0x80, s21;
	(ifvalue) =	ssetifvalue $0x7FFFFFFF  }
0xa4: {  	[tilespmem:s23], [sflag:$0x1] =	stream.indirect_vreg.gather [hbm4b:s2+s13], $0x1, v1, vm0, $0x4038;
	[tilespmem:$0x8400] =	vst v63  }
0xa5: {  	v1 =	vor.u32 $0x180, v0;
	(ifvalue) =	ssetifvalue $0x7FFFFFFF  }
0xa6: {  	s23 =	sadd.s32 $0x100, s21;
	(ifvalue) =	ssetifvalue $0x7FFFFFFF  }
0xa7: {  	[tilespmem:s23], [sflag:$0x1] =	stream.indirect_vreg.gather [hbm4b:s2+s13], $0x1, v2, vm0, $0x4038;
	[tilespmem:$0x8400] =	vst v63  }
0xa8: {  	v2 =	vor.u32 $0x200, v0;
	(ifvalue) =	ssetifvalue $0x7FFFFFFF  }
0xa9: {  	s23 =	sadd.s32 $0x180, s21;
	(ifvalue) =	ssetifvalue $0x7FFFFFFF  }
0xaa: {  	[tilespmem:s23], [sflag:$0x1] =	stream.indirect_vreg.gather [hbm4b:s2+s13], $0x1, v1, vm0, $0x4038;
	[tilespmem:$0x8400] =	vst v63  }
0xab: {  	v1 =	vor.u32 $0x280, v0;
	(ifvalue) =	ssetifvalue $0x7FFFFFFF  }
0xac: {  	s23 =	sadd.s32 $0x200, s21;
	(ifvalue) =	ssetifvalue $0x7FFFFFFF  }
0xad: {  	[tilespmem:s23], [sflag:$0x1] =	stream.indirect_vreg.gather [hbm4b:s2+s13], $0x1, v2, vm0, $0x4038;
	[tilespmem:$0x8400] =	vst v63  }
0xae: {  	v2 =	vor.u32 $0x300, v0;
	(ifvalue) =	ssetifvalue $0x7FFFFFFF  }
0xaf: {  	s23 =	sadd.s32 $0x280, s21;
	(ifvalue) =	ssetifvalue $0x7FFFFFFF  }
0xb0: {  	[tilespmem:s23], [sflag:$0x1] =	stream.indirect_vreg.gather [hbm4b:s2+s13], $0x1, v1, vm0, $0x4038;
	[tilespmem:$0x8400] =	vst v63  }
0xb1: {  	v1 =	vor.u32 $0x380, v0;
	(ifvalue) =	ssetifvalue $0x7FFFFFFF  }
0xb2: {  	s22 =	sor.u32 s20, s22;
	s23 =	sadd.s32 $0x300, s21;
	(ifvalue) =	ssetifvalue $0x7FFFFFFF  }
0xb3: {  	[tilespmem:s23], [sflag:$0x1] =	stream.indirect_vreg.gather [hbm4b:s2+s13], $0x1, v2, vm0, $0x4038;
	[tilespmem:$0x8400] =	vst v63  }
0xb4: {  	s22 =	sor.u32 $0x380, s22;
	v2 =	vadd.s32 $0x7A1400, v0;
	(ifvalue) =	ssetifvalue $0x7FFFFFFF  }
0xb5: {  	s22 =	sadd.s32 s22, s17;
	(ifvalue) =	ssetifvalue $0x7FFFFFFF  }
0xb6: {  	[tilespmem:s22], [sflag:$0x1] =	stream.indirect_vreg.gather [hbm4b:s2+s13], $0x1, v1, vm0, $0x4038;
	[tilespmem:$0x8400] =	vst v63  }
0xb7: {  	v1 =	vadd.s32 $0x7A1480, v0;
	(ifvalue) =	ssetifvalue $0x7FFFFFFF  }
0xb8: {  	s22 =	sadd.s32 $0x1000, s21;
	(ifvalue) =	ssetifvalue $0x7FFFFFFF  }
0xb9: {  	[tilespmem:s22], [sflag:$0x1] =	stream.indirect_vreg.gather [hbm4b:s2+s13], $0x1, v2, vm0, $0x4038;
	[tilespmem:$0x8400] =	vst v63  }
0xba: {  	v2 =	vadd.s32 $0x7A1500, v0;
	(ifvalue) =	ssetifvalue $0x7FFFFFFF  }
0xbb: {  	s22 =	sadd.s32 $0x1080, s21;
	(ifvalue) =	ssetifvalue $0x7FFFFFFF  }
0xbc: {  	[tilespmem:s22], [sflag:$0x1] =	stream.indirect_vreg.gather [hbm4b:s2+s13], $0x1, v1, vm0, $0x4038;
	[tilespmem:$0x8400] =	vst v63  }
0xbd: {  	v1 =	vadd.s32 $0x7A1580, v0;
	(ifvalue) =	ssetifvalue $0x7FFFFFFF  }
0xbe: {  	s22 =	sadd.s32 $0x1100, s21;
	(ifvalue) =	ssetifvalue $0x7FFFFFFF  }
0xbf: {  	[tilespmem:s22], [sflag:$0x1] =	stream.indirect_vreg.gather [hbm4b:s2+s13], $0x1, v2, vm0, $0x4038;
	[tilespmem:$0x8400] =	vst v63  }
0xc0: {  	v2 =	vadd.s32 $0x7A1600, v0;
	(ifvalue) =	ssetifvalue $0x7FFFFFFF  }
0xc1: {  	s22 =	sadd.s32 $0x1180, s21;
	(ifvalue) =	ssetifvalue $0x7FFFFFFF  }
0xc2: {  	[tilespmem:s22], [sflag:$0x1] =	stream.indirect_vreg.gather [hbm4b:s2+s13], $0x1, v1, vm0, $0x4038;
	[tilespmem:$0x8400] =	vst v63  }
0xc3: {  	v1 =	vadd.s32 $0x7A1680, v0;
	(ifvalue) =	ssetifvalue $0x7FFFFFFF  }
0xc4: {  	s22 =	sadd.s32 $0x1200, s21;
	(ifvalue) =	ssetifvalue $0x7FFFFFFF  }
0xc5: {  	[tilespmem:s22], [sflag:$0x1] =	stream.indirect_vreg.gather [hbm4b:s2+s13], $0x1, v2, vm0, $0x4038;
	[tilespmem:$0x8400] =	vst v63  }
0xc6: {  	v2 =	vadd.s32 $0x7A1700, v0;
	(ifvalue) =	ssetifvalue $0x7FFFFFFF  }
0xc7: {  	s22 =	sadd.s32 $0x1280, s21;
	(ifvalue) =	ssetifvalue $0x7FFFFFFF  }
0xc8: {  	[tilespmem:s22], [sflag:$0x1] =	stream.indirect_vreg.gather [hbm4b:s2+s13], $0x1, v1, vm0, $0x4038;
	[tilespmem:$0x8400] =	vst v63  }
0xc9: {  	v1 =	vadd.s32 $0x7A1780, v0;
	(ifvalue) =	ssetifvalue $0x7FFFFFFF  }
0xca: {  	s22 =	sadd.s32 $0x1300, s21;
	(ifvalue) =	ssetifvalue $0x7FFFFFFF  }
0xcb: {  	[tilespmem:s22], [sflag:$0x1] =	stream.indirect_vreg.gather [hbm4b:s2+s13], $0x1, v2, vm0, $0x4038;
	[tilespmem:$0x8400] =	vst v63  }
0xcc: {  	v2 =	vadd.s32 $0xF42800, v0;
	(ifvalue) =	ssetifvalue $0x7FFFFFFF  }
0xcd: {  	s22 =	sadd.s32 $0x1380, s21;
	(ifvalue) =	ssetifvalue $0x7FFFFFFF  }
0xce: {  	[tilespmem:s22], [sflag:$0x1] =	stream.indirect_vreg.gather [hbm4b:s2+s13], $0x1, v1, vm0, $0x4038;
	[tilespmem:$0x8400] =	vst v63  }
0xcf: {  	v1 =	vadd.s32 $0xF42880, v0;
	(ifvalue) =	ssetifvalue $0x7FFFFFFF  }
0xd0: {  	s22 =	sadd.s32 $0x2000, s21;
	(ifvalue) =	ssetifvalue $0x7FFFFFFF  }
0xd1: {  	[tilespmem:s22], [sflag:$0x1] =	stream.indirect_vreg.gather [hbm4b:s2+s13], $0x1, v2, vm0, $0x4038;
	[tilespmem:$0x8400] =	vst v63  }
0xd2: {  	v2 =	vadd.s32 $0xF42900, v0;
	(ifvalue) =	ssetifvalue $0x7FFFFFFF  }
0xd3: {  	s22 =	sadd.s32 $0x2080, s21;
	(ifvalue) =	ssetifvalue $0x7FFFFFFF  }
0xd4: {  	[tilespmem:s22], [sflag:$0x1] =	stream.indirect_vreg.gather [hbm4b:s2+s13], $0x1, v1, vm0, $0x4038;
	[tilespmem:$0x8400] =	vst v63  }
0xd5: {  	v1 =	vadd.s32 $0xF42980, v0;
	(ifvalue) =	ssetifvalue $0x7FFFFFFF  }
0xd6: {  	s22 =	sadd.s32 $0x2100, s21;
	(ifvalue) =	ssetifvalue $0x7FFFFFFF  }
0xd7: {  	[tilespmem:s22], [sflag:$0x1] =	stream.indirect_vreg.gather [hbm4b:s2+s13], $0x1, v2, vm0, $0x4038;
	[tilespmem:$0x8400] =	vst v63  }
0xd8: {  	v2 =	vadd.s32 $0xF42A00, v0;
	(ifvalue) =	ssetifvalue $0x7FFFFFFF  }
0xd9: {  	s22 =	sadd.s32 $0x2180, s21;
	(ifvalue) =	ssetifvalue $0x7FFFFFFF  }
0xda: {  	[tilespmem:s22], [sflag:$0x1] =	stream.indirect_vreg.gather [hbm4b:s2+s13], $0x1, v1, vm0, $0x4038;
	[tilespmem:$0x8400] =	vst v63  }
0xdb: {  	v1 =	vadd.s32 $0xF42A80, v0;
	(ifvalue) =	ssetifvalue $0x7FFFFFFF  }
0xdc: {  	s22 =	sadd.s32 $0x2200, s21;
	(ifvalue) =	ssetifvalue $0x7FFFFFFF  }
0xdd: {  	[tilespmem:s22], [sflag:$0x1] =	stream.indirect_vreg.gather [hbm4b:s2+s13], $0x1, v2, vm0, $0x4038;
	[tilespmem:$0x8400] =	vst v63  }
0xde: {  	v2 =	vadd.s32 $0xF42B00, v0;
	(ifvalue) =	ssetifvalue $0x7FFFFFFF  }
0xdf: {  	s22 =	sadd.s32 $0x2280, s21;
	(ifvalue) =	ssetifvalue $0x7FFFFFFF  }
0xe0: {  	[tilespmem:s22], [sflag:$0x1] =	stream.indirect_vreg.gather [hbm4b:s2+s13], $0x1, v1, vm0, $0x4038;
	[tilespmem:$0x8400] =	vst v63  }
0xe1: {  	v1 =	vadd.s32 $0xF42B80, v0;
	(ifvalue) =	ssetifvalue $0x7FFFFFFF  }
0xe2: {  	s22 =	sadd.s32 $0x2300, s21;
	(ifvalue) =	ssetifvalue $0x7FFFFFFF  }
0xe3: {  	[tilespmem:s22], [sflag:$0x1] =	stream.indirect_vreg.gather [hbm4b:s2+s13], $0x1, v2, vm0, $0x4038;
	[tilespmem:$0x8400] =	vst v63  }
0xe4: {  	v2 =	vadd.s32 $0x16E3C00, v0;
	(ifvalue) =	ssetifvalue $0x7FFFFFFF  }
0xe5: {  	s22 =	sadd.s32 $0x2380, s21;
	(ifvalue) =	ssetifvalue $0x7FFFFFFF  }
0xe6: {  	[tilespmem:s22], [sflag:$0x1] =	stream.indirect_vreg.gather [hbm4b:s2+s13], $0x1, v1, vm0, $0x4038;
	[tilespmem:$0x8400] =	vst v63  }
0xe7: {  	v1 =	vadd.s32 $0x16E3C80, v0;
	(ifvalue) =	ssetifvalue $0x7FFFFFFF  }
0xe8: {  	s22 =	sadd.s32 $0x3000, s21;
	(ifvalue) =	ssetifvalue $0x7FFFFFFF  }
0xe9: {  	[tilespmem:s22], [sflag:$0x1] =	stream.indirect_vreg.gather [hbm4b:s2+s13], $0x1, v2, vm0, $0x4038;
	[tilespmem:$0x8400] =	vst v63  }
0xea: {  	v2 =	vadd.s32 $0x16E3D00, v0;
	(ifvalue) =	ssetifvalue $0x7FFFFFFF  }
0xeb: {  	s22 =	sadd.s32 $0x3080, s21;
	(ifvalue) =	ssetifvalue $0x7FFFFFFF  }
0xec: {  	[tilespmem:s22], [sflag:$0x1] =	stream.indirect_vreg.gather [hbm4b:s2+s13], $0x1, v1, vm0, $0x4038;
	[tilespmem:$0x8400] =	vst v63  }
0xed: {  	v1 =	vadd.s32 $0x16E3D80, v0;
	(ifvalue) =	ssetifvalue $0x7FFFFFFF  }
0xee: {  	s22 =	sadd.s32 $0x3100, s21;
	(ifvalue) =	ssetifvalue $0x7FFFFFFF  }
0xef: {  	[tilespmem:s22], [sflag:$0x1] =	stream.indirect_vreg.gather [hbm4b:s2+s13], $0x1, v2, vm0, $0x4038;
	[tilespmem:$0x8400] =	vst v63  }
0xf0: {  	v2 =	vadd.s32 $0x16E3E00, v0;
	(ifvalue) =	ssetifvalue $0x7FFFFFFF  }
0xf1: {  	s22 =	sadd.s32 $0x3180, s21;
	(ifvalue) =	ssetifvalue $0x7FFFFFFF  }
0xf2: {  	[tilespmem:s22], [sflag:$0x1] =	stream.indirect_vreg.gather [hbm4b:s2+s13], $0x1, v1, vm0, $0x4038;
	[tilespmem:$0x8400] =	vst v63  }
0xf3: {  	v1 =	vadd.s32 $0x16E3E80, v0;
	(ifvalue) =	ssetifvalue $0x7FFFFFFF  }
0xf4: {  	s22 =	sadd.s32 $0x3200, s21;
	(ifvalue) =	ssetifvalue $0x7FFFFFFF  }
0xf5: {  	[tilespmem:s22], [sflag:$0x1] =	stream.indirect_vreg.gather [hbm4b:s2+s13], $0x1, v2, vm0, $0x4038;
	[tilespmem:$0x8400] =	vst v63  }
0xf6: {  	v2 =	vadd.s32 $0x16E3F00, v0;
	(ifvalue) =	ssetifvalue $0x7FFFFFFF  }
0xf7: {  	s22 =	sadd.s32 $0x3280, s21;
	(ifvalue) =	ssetifvalue $0x7FFFFFFF  }
0xf8: {  	[tilespmem:s22], [sflag:$0x1] =	stream.indirect_vreg.gather [hbm4b:s2+s13], $0x1, v1, vm0, $0x4038;
	[tilespmem:$0x8400] =	vst v63  }
.Ltmp3:
0xf9: {  	v0 =	vadd.s32 $0x16E3F80, v0;
	(ifvalue) =	ssetifvalue $0x7FFFFFFF;
	(pc) =	sbr.rel @p1 .LBB2_3-.Ltmp3, $4  }
0xfa: {  	s22 =	sadd.s32 $0x3300, s21;
	(ifvalue) =	ssetifvalue $0x7FFFFFFF  }
0xfb: {  	[tilespmem:s22], [sflag:$0x1] =	stream.indirect_vreg.gather [hbm4b:s2+s13], $0x1, v2, vm0, $0x4038;
	[tilespmem:$0x8400] =	vst v63  }
0xfc: {  	s19 =	sadd.s32 $0x10, s19;
	(ifvalue) =	ssetifvalue $0x7FFFFFFF  }
0xfd: {  	s20 =	sadd.s32 $0x80, s20;
	s21 =	sadd.s32 $0x3380, s21;
	(ifvalue) =	ssetifvalue $0x7FFFFFFF  }
.Ltmp4:
0xfe: {  	_ = 	snop;
	(pc) =	sbr.rel .LBB2_4-.Ltmp4, $1  }
0xff: {  	_ =	sdelay $0x3  }
.LBB2_6:
0x100: {  	_ =	sfence.sel $0x180000  }
0x101: {  	s2 =	simm.s32 $0x2;
	[bflag:$0x0] =	sbarrier.arrive $0xFFFF  }
0x102: {  	s30 =	simm.s32 $0x3;
	[sflag:s2] =	ssyncpa.u1 $0x1  }
0x103: {  	s31 =	simm.s32 $0x1;
	[sflag:s30] =	ssyncpa.u1 $0x1  }
0x104: {  	[sflag:s31] =	ssyncpa.u1 $0x1  }
0x105: {  	p0 =	sne.s32 s0, $0x0;
	_ =	strace $0x9000004A  }
0x106: {  	s0 =	sadd.s32 @!p0 $0x100000, s1;
	[bflag:$0x2] =	sbarrier.arrive $0xFFFF  }
0x107: {  	[sflag:s0] =	ssyncadd.tile.s32 @!p0 $0x1;
	_ =	shalt  }
.Lfunc_end2:
_tile_overlayer_lowered:
.L_overlay_start_2:
0x108: {  	(tag) =	ssettag $0x2  }
0x109: {  	s0 =	rddreg [dreg:$0x0];
	s2 =	stileid.u32  }
0x10a: {  	s1 =	rddreg [dreg:$0x1];
	p0 =	sne.s32 s2, $0x0  }
0x10b: {  	s3 =	rddreg [dreg:$0x2];
	[bflag:$0x3] =	sbarrier.arrive $0xFFFF;
	s2 =	simm.s32 @!p0 $0x1C01  }
0x10c: {  	[timem:s3], [sflag:s2] =	dma.local @!p0 [hbm:s0], s1  }
0x10d: {  	s0 =	simm.s32 @!p0 $0x1  }
0x10e: {  	_ =	swait.ge @!p0 [sflag:s0], s1  }
0x10f: {  	s1 =	ssub.s32 @!p0 $0x0, s1;
	[sflag:s0] =	ssyncset.done @!p0 $0x0  }
0x110: {  	[sflag:s0] =	ssyncadd.s32 @!p0 s1  }
0x111: {  	[bflag:$0x3] =	sbarrier.arrive $0xFFFF  }
0x112: {  	_ =	shalt  }

// kernel: gather_offload_async_start
scs
__scs_entry_jumppad:
0x0: {  	(pc) =	sbr.rel $0x88, $3  }
0x1: {  	(tag) =	ssettag $0x0;
	lr =	simm.s32 $0x1  }
0x2: {  	[smem:$0x3F93] =	sst lr;
	_ =	strace $0xD0000000  }
0x3: {  	_ = 	snop  }
0x4: {  	_ = 	snop  }
0x5: {  	_ = 	snop  }
0x6: {  	_ = 	snop  }
0x7: {  	_ = 	snop  }
__scs_overlays_trampoline_lowered:
0x8: {  	[smem:$0x3FA2] =	sst s0  }
0x9: {  	[smem:$0x3FA3] =	sst s1  }
0xa: {  	[smem:$0x3FA4] =	sst s2  }
0xb: {  	[smem:$0x3FA5] =	sst s3  }
0xc: {  	[smem:$0x3FA6] =	sst s4  }
0xd: {  	[smem:$0x3FA7] =	sst s5  }
0xe: {  	[smem:$0x3FA8] =	sst s6  }
0xf: {  	[smem:$0x3FA9] =	sst s7  }
0x10: {  	[smem:$0x3FAA] =	sst s8  }
0x11: {  	[smem:$0x3FAB] =	sst s9;
	s0 =	simm.s32 @!p0 $0x0  }
0x12: {  	s1 =	sld [smem:$0x3F91];
	s0 =	simm.s32 @p0 $0x1  }
0x13: {  	[smem:$0x3FAC] =	sst s0;
	s0 =	simm.s32 @!p1 $0x0  }
0x14: {  	s2 =	sld [smem:$0x3F90];
	s0 =	simm.s32 @p1 $0x1  }
0x15: {  	[smem:$0x3FAD] =	sst s0;
	s0 =	simm.s32 @!p2 $0x0  }
0x16: {  	s3 =	sld [smem:$0x3FDB];
	s0 =	simm.s32 @p2 $0x1  }
0x17: {  	s4 =	simm.s32 $0x1BF5;
	[smem:$0x3FAF] =	sst s0  }
0x18: {  	s0 =	sld [smem:$0x3F92];
	_ =	swait.ge [sflag:s4], $0x0  }
0x19: {  	s7 =	sld [smem:$0x3F93]  }
0x1a: {  	s8 =	sadd.s32 $0xFFFFE003, lr  }
0x1b: {  	s9 =	sadd.s32 $0xFFFFFEF7, lr;
	s5 =	simm.s32 $0xFFFFFFFF;
	p2 =	slt.u32 s8, $0xFFFFF086  }
0x1c: {  	p1 =	slt.u32 s9, $0xF7A;
	s5 =	simm.s32 @!p2 $0x0  }
0x1d: {  	s5 =	simm.s32 @p1 $0x1;
	p0 =	seq.s32 s7, s2  }
0x1e: {  	s7 =	smul.u32 @!p0 $0xF7A, s2;
	p2 =	seq.s32 @!p0 s5, $0x0  }
0x1f: {  	s9 =	smul.u32 $0xF7A, s1;
	s8 =	simm.s32 @!p0 $0x1BF5;
	p2 =	por !p2, p0  }
0x20: {  	[sflag:s8] =	ssyncset.s32 @!p0 $0xFFFFF086;
	s6 =	sadd.s32 @!p0 s3, s7;
	s7 =	simm.s32 @!p0 $0x108  }
0x21: {  	s3 =	sadd.s32 s3, s9;
	s6 =	sadd.s32 @!p0 $0x88, s6;
	s7 =	simm.s32 @p2 $0x1082  }
0x22: {  	[simem:s7], [sflag:s8] =	dma.local @!p0 [hbm:s6], $0xF7A  }
0x23: {  	s9 =	sor.u32 $0xD0000000, s2;
	s6 =	simm.s32 $0x108;
	_ =	swait.ge @!p0 [sflag:s8], $0x0  }
0x24: {  	s3 =	sadd.s32 $0x88, s3;
	s6 =	simm.s32 @!p1 $0x1082;
	[sflag:s4] =	ssyncset.s32 $0xFFFFF086  }
0x25: {  	[simem:s6], [sflag:s4] =	dma.local [hbm:s3], $0xF7A  }
0x26: {  	[smem:$0x3F93] =	sst s1;
	(tag) =	ssettag s2;
	_ =	strace s9  }
0x27: {  	s1 =	sld [smem:$0x3FA3]  }
0x28: {  	s2 =	sld [smem:$0x3FA4]  }
0x29: {  	s4 =	sld [smem:$0x3FA6]  }
0x2a: {  	p0 =	seq.s32 s5, $0x0;
	s5 =	sld [smem:$0x3FA7]  }
0x2b: {  	s6 =	sld [smem:$0x3FA8]  }
0x2c: {  	s7 =	sld [smem:$0x3FA9]  }
0x2d: {  	s3 =	simm.s32 $0x108;
	s8 =	sld [smem:$0x3FAA]  }
0x2e: {  	s3 =	simm.s32 @!p0 $0x1082;
	s9 =	sld [smem:$0x3FAB]  }
0x2f: {  	lr =	sadd.s32 s0, s3;
	s0 =	sld [smem:$0x3FA2]  }
0x30: {  	s3 =	sld [smem:$0x3FA5]  }
0x31: {  	[smem:$0x3FAE] =	sst s10  }
0x32: {  	s10 =	sld [smem:$0x3FAC];
	_ =	sdelay $0x3  }
0x33: {  	p0 =	seq.s32 s10, $0x1;
	s10 =	sld [smem:$0x3FAE];
	_ =	sdelay $0x3  }
0x34: {  	[smem:$0x3FAE] =	sst s10  }
0x35: {  	s10 =	sld [smem:$0x3FAD];
	_ =	sdelay $0x3  }
0x36: {  	p1 =	seq.s32 s10, $0x1;
	s10 =	sld [smem:$0x3FAE];
	_ =	sdelay $0x3  }
0x37: {  	[smem:$0x3FAE] =	sst s10  }
0x38: {  	s10 =	sld [smem:$0x3FAF]  }
0x39: {  	_ = 	snop;
	(pc) =	sbr.ind lr, $3  }
0x3a: {  	_ = 	snop  }
0x3b: {  	_ = 	snop  }
0x3c: {  	p2 =	seq.s32 s10, $0x1;
	s10 =	sld [smem:$0x3FAE]  }
0x3d: {  	_ =	shalt  }
0x3e: {  	_ =	shalt  }
0x3f: {  	_ =	shalt  }
0x40: {  	_ =	shalt  }
0x41: {  	_ =	shalt  }
0x42: {  	_ =	shalt  }
0x43: {  	_ =	shalt  }
0x44: {  	_ =	shalt  }
0x45: {  	_ =	shalt  }
0x46: {  	_ =	shalt  }
0x47: {  	_ =	shalt  }
0x48: {  	_ =	shalt  }
0x49: {  	_ =	shalt  }
0x4a: {  	_ =	shalt  }
0x4b: {  	_ =	shalt  }
0x4c: {  	_ =	shalt  }
0x4d: {  	_ =	shalt  }
0x4e: {  	_ =	shalt  }
0x4f: {  	_ =	shalt  }
0x50: {  	_ =	shalt  }
0x51: {  	_ =	shalt  }
0x52: {  	_ =	shalt  }
0x53: {  	_ =	shalt  }
0x54: {  	_ =	shalt  }
0x55: {  	_ =	shalt  }
0x56: {  	_ =	shalt  }
0x57: {  	_ =	shalt  }
0x58: {  	_ =	shalt  }
0x59: {  	_ =	shalt  }
0x5a: {  	_ =	shalt  }
0x5b: {  	_ =	shalt  }
0x5c: {  	_ =	shalt  }
0x5d: {  	_ =	shalt  }
0x5e: {  	_ =	shalt  }
0x5f: {  	_ =	shalt  }
0x60: {  	_ =	shalt  }
0x61: {  	_ =	shalt  }
0x62: {  	_ =	shalt  }
0x63: {  	_ =	shalt  }
0x64: {  	_ =	shalt  }
0x65: {  	_ =	shalt  }
0x66: {  	_ =	shalt  }
0x67: {  	_ =	shalt  }
0x68: {  	_ =	shalt  }
0x69: {  	_ =	shalt  }
0x6a: {  	_ =	shalt  }
0x6b: {  	_ =	shalt  }
0x6c: {  	_ =	shalt  }
0x6d: {  	_ =	shalt  }
0x6e: {  	_ =	shalt  }
0x6f: {  	_ =	shalt  }
0x70: {  	_ =	shalt  }
0x71: {  	_ =	shalt  }
0x72: {  	_ =	shalt  }
0x73: {  	_ =	shalt  }
0x74: {  	_ =	shalt  }
0x75: {  	_ =	shalt  }
0x76: {  	_ =	shalt  }
0x77: {  	_ =	shalt  }
0x78: {  	_ =	shalt  }
0x79: {  	_ =	shalt  }
0x7a: {  	_ =	shalt  }
0x7b: {  	_ =	shalt  }
0x7c: {  	_ =	shalt  }
0x7d: {  	_ =	shalt  }
0x7e: {  	_ =	shalt  }
0x7f: {  	_ =	shalt  }
0x80: {  	_ =	shalt  }
0x81: {  	_ =	shalt  }
0x82: {  	_ =	shalt  }
0x83: {  	_ =	shalt  }
0x84: {  	_ =	shalt  }
0x85: {  	_ =	shalt  }
0x86: {  	_ =	shalt  }
0x87: {  	_ =	shalt  }
.Lfunc_end0:
.L_simem_size_0:
called_computation_lowered:
.L_overlay_start_0:
0x88: {  	s2 =	sld [smem:$0x3FD9]  }
0x89: {  	s3 =	sld [smem:$0x3FFE];
	_ =	sdelay $0x1  }
0x8a: {  	s1 =	srdreg.scid  }
0x8b: {  	s0 =	sand.u32 $0x1, s1  }
0x8c: {  	s17 =	sshll.u32 s0, $0xA;
	s2 =	sadd.s32 s3, s2  }
0x8d: {  	s2 =	sadd.s32 s2, s17  }
0x8e: {  	[smem:$0x3FBA] =	sst s2  }
0x8f: {  	_ = 	snop  }
0x90: {  	s2 =	sld [smem:$0x3FC7]  }
0x91: {  	s18 =	sld [smem:$0x3FD0];
	(tm) =	ssettm $0x1  }
0x92: {  	s4 =	sld [smem:$0x3FFB];
	_ =	sdelay $0x3  }
0x93: {  	_ =	strace s4  }
0x94: {  	s4 =	sld [smem:$0x3FFC];
	_ =	sdelay $0x3  }
0x95: {  	_ =	strace s4  }
0x96: {  	s4 =	sld [smem:$0x3FFD];
	_ =	sdelay $0x3  }
0x97: {  	_ =	strace s4  }
0x98: {  	_ =	strace $0x8FFFFFFF  }
0x99: {  	s19 =	sld [smem:$0x3FDB];
	_ =	sdelay $0x1  }
0x9a: {  	s5 =	simm.s32 $_scs_section_size  }
0x9b: {  	s6 =	simm.s32 $_size__tile_overlayer_lowered;
	s7 =	simm.s32 $_tile_overlayer_lowered  }
0x9c: {  	s22 =	simm.s32 $0x1BFF;
	s21 =	sshll.u32 s7, $0x1;
	s4 =	sadd.s32 s5, s19  }
0x9d: {  	s8 =	simm.s32 $0x0;
	s20 =	sshll.u32 s6, $0x1;
	s6 =	sadd.s32 s21, s4  }
0x9e: {  	[timem:s8], [sflag:s22] =	dma.local [hbm:s6], s20  }
0x9f: {  	_ =	swait.ge [sflag:s22], s20  }
0xa0: {  	s5 =	ssub.s32 $0x0, s20;
	[sflag:s22] =	ssyncset.done $0x0  }
0xa1: {  	[sflag:s22] =	ssyncadd.s32 s5;
	_ =	sdelay $0x1  }
0xa2: {  	s23 =	simm.s32 $0x1B8B  }
0xa3: {  	_ =	swait.ge [sflag:s23], $0x1  }
0xa4: {  	[sflag:s23] =	ssyncset.done $0x0  }
0xa5: {  	s25 =	simm.s32 $0x1B8E;
	s24 =	sld [smem:$0x3FFE];
	[sflag:s23] =	ssyncadd.s32 $0xFFFFFFFF  }
0xa6: {  	s26 =	simm.s32 $execute0_lowered;
	[smem:$0x3FD2] =	sst s25  }
0xa7: {  	s6 =	sshll.u32 s26, $0x1;
	_ =	strace $0x80000046;
	[dreg:$0x1] =	wrdreg $0xFFFFFFFF  }
0xa8: {  	s28 =	simm.s32 $_size_execute0_lowered;
	s4 =	sadd.s32 s4, s6;
	[dreg:$0x0] =	wrdreg $0x0  }
0xa9: {  	s6 =	sshll.u32 s28, $0x1;
	[dreg:$0x2] =	wrdreg s4  }
0xaa: {  	[dreg:$0x3] =	wrdreg s6  }
0xab: {  	[dreg:$0x4] =	wrdreg $0xC0  }
0xac: {  	_ =	task [dreg:s8], $0x5FFFF  }
0xad: {  	[dreg:$0x1] =	wrdreg $0xFFFFFFFF  }
0xae: {  	[dreg:$0x0] =	wrdreg $0x60  }
0xaf: {  	[dreg:$0x2] =	wrdreg s2  }
0xb0: {  	[dreg:$0x3] =	wrdreg s18  }
0xb1: {  	[dreg:$0x4] =	wrdreg s24  }
0xb2: {  	[dreg:$0x5] =	wrdreg $0x9  }
0xb3: {  	_ =	task.clear_ibuf [dreg:s8], $0x6FFFF;
	_ =	strace $0x90000046  }
0xb4: {  	s29 =	simm.s32 $0x9;
	_ =	strace $0x80000048  }
0xb5: {  	_ =	swait.ge [sflag:s29], $0x1  }
0xb6: {  	[sflag:s29] =	ssyncadd.s32 $0xFFFFFFFF  }
0xb7: {  	_ =	strace $0x90000048  }
0xb8: {  	_ =	sfence  }
0xb9: {  	s30 =	sld [smem:$0x0];
	_ =	sdelay $0x2  }
0xba: {  	s31 =	sshll.u32 s1, $0xD;
	s1 =	sshrl.u32 s1, $0x2  }
0xbb: {  	s3 =	sand.u32 $0x4000, s31;
	s1 =	sadd.s32 s1, s30  }
0xbc: {  	s0 =	sor.u32 s3, s0;
	s1 =	sshll.u32 s1, $0x11  }
0xbd: {  	s0 =	sor.u32 s1, s0  }
0xbe: {  	s0 =	sadd.s32 $0x8F2B, s0  }
0xbf: {  	[sflag:s0] =	ssyncadd.remote.s32 $0x1  }
0xc0: {  	_ =	sfence.sel $0xFFFF  }
0xc1: {  	[dreg:$0x0] =	wrdreg $0xFFFFFFFF;
	(pc) =	sbr.abs _section_cstart, $3  }
0xc2: {  	[dreg:$0x1] =	wrdreg $0xFFFFFFFF  }
0xc3: {  	_ =	task.clear_ibuf [dreg:s8], $0x2FFFF;
	_ =	strace $0x9FFFFFFF  }
0xc4: {  	(tm) =	ssettm $0x7FFFFFFF  }
0xc5: {  	_ =	shalt  }
tec
execute0_lowered:
.L_overlay_start_1:
0x0: {  	(tag) =	ssettag $0x1  }
0x1: {  	s2 =	rddreg [dreg:$0x0]  }
0x2: {  	s8 =	rddreg [dreg:$0x1];
	s0 =	srdreg.scid  }
0x3: {  	s11 =	rddreg [dreg:$0x2];
	s1 =	stileid.u32;
	s5 =	simm.s32 $0x1  }
0x4: {  	s6 =	simm.s32 $0x2;
	s10 =	simm.s32 $0x3;
	s13 =	simm.s32 $0x0  }
0x5: {  	s15 =	simm.s32 $0x0;
	s3 =	sshll.u32 s0, $0x9;
	s0 =	rddreg [dreg:$0x3]  }
0x6: {  	s4 =	sshll.u32 s1, $0xA;
	_ =	strace $0x80000047;
	s3 =	sand.u32 $0x200, s3  }
0x7: {  	s14 =	simm.s32 $0x0;
	[sflag:s5] =	ssyncpa.u1 $0x0;
	s3 =	sor.u32 s4, s3  }
0x8: {  	s4 =	sadd.s32 $0x1C00, s11;
	[sflag:s6] =	ssyncpa.u1 $0x0;
	s7 =	ssub.s32 $0x4000, s3  }
.Ltmp0:
0x9: {  	[sflag:s10] =	ssyncpa.u1 $0x0;
	s9 =	sand.u32 $0x3E00, s7;
	(pc) =	sbr.rel .LBB2_1-.Ltmp0, $4  }
0xa: {  	s31 =	sshrl.u32 s3, $0x3;
	p0 =	sne.s32 s9, $0x0;
	s9 =	simm.s32 $0x1  }
0xb: {  	s10 =	sadd.s32 $0x9C00, s11;
	s7 =	sshrl.u32 s7, $0xE;
	s9 =	simm.s32 @!p0 $0x0  }
0xc: {  	s8 =	sadd.s32 s8, s31;
	p0 =	por $0x0, $0x0;
	s7 =	sadd.s32 s9, s7  }
0xd: {  	vm0 =	vmmov $0xffff;
	s9 =	sadd.s32 $0x5C00, s11;
	s11 =	sadd.s32 $0xDC00, s11;
	s12 =	sadd.s32 $0x1, s7  }
.LBB2_4:
0xe: {  	_ =	sdelay $0x3  }
0xf: {  	[tilespmem:s21], [sflag:$0x1] =	stream.indirect_vreg.gather [hbm4b:s2+s13], $0x1, v0, vm0, $0x4038;
	[tilespmem:$0x8400] =	vst v63  }
0x10: {  	s18 =	sshll.u32 s15, $0x3  }
0x11: {  	s24 =	sand.u32 $0x78, s15;
	s18 =	sand.u32 $0x7FFFFC00, s18  }
0x12: {  	_ =	swait.ge [sflag:s5], $0x4000;
	s15 =	sor.u32 s24, s18  }
0x13: {  	[sflag:s5] =	ssyncset.done $0x0;
	s15 =	sshrl.u32 s15, $0x3  }
0x14: {  	[sflag:s5] =	ssyncadd.s32 $0xFFFFC000;
	s25 =	sadd.s32 s4, s15  }
0x15: {  	[hbm:s25] =	stream.linear.scatter [tilespmem:s17], [sflag:$0x3], $0x1000, $0x38;
	[tilespmem:$0x8400] =	vst v63  }
0x16: {  	s26 =	sadd.s32 $0x1400, s16;
	s28 =	sadd.s32 s15, s9  }
0x17: {  	[hbm:s28] =	stream.linear.scatter [tilespmem:s26], [sflag:$0x3], $0x1000, $0x38;
	[tilespmem:$0x8400] =	vst v63  }
0x18: {  	s29 =	sadd.s32 $0x2400, s16;
	s30 =	sadd.s32 s15, s10  }
0x19: {  	[hbm:s30] =	stream.linear.scatter [tilespmem:s29], [sflag:$0x3], $0x1000, $0x38;
	[tilespmem:$0x8400] =	vst v63  }
0x1a: {  	s31 =	sadd.s32 $0x3400, s16;
	s15 =	sadd.s32 s15, s11  }
0x1b: {  	[hbm:s15] =	stream.linear.scatter [tilespmem:s31], [sflag:$0x3], $0x1000, $0x38;
	[tilespmem:$0x8400] =	vst v63  }
.LBB2_5:
0x1c: {  	p2 =	sne.s32 s14, s12  }
.Ltmp1:
0x1d: {  	p1 =	slt.u32 s14, $0x2;
	(pc) =	sbr.rel @!p2 .LBB2_6-.Ltmp1, $4  }
0x1e: {  	s15 =	simm.s32 @!p1 $0x3  }
0x1f: {  	_ =	swait.ge @!p1 [sflag:s15], $0x4000  }
0x20: {  	s16 =	sadd.s32 $0x1, s14;
	p0 =	por !p0, !p0;
	[sflag:s15] =	ssyncset.done @!p1 $0x0  }
0x21: {  	s14 =	smov.u32 s16;
	[sflag:s15] =	ssyncadd.s32 @!p1 $0xFFFFC000;
	s15 =	smov.u32 s3  }
.LBB2_1:
0x22: {  	p1 =	sge.u32 s14, s7  }
0x23: {  	s16 =	sxor.u32 @!p1 $0xFFFFFFFF, s14  }
0x24: {  	s16 =	sshll.u32 @!p1 s16, $0x9  }
0x25: {  	s31 =	sadd.s32 $0xFFFFFFFF, s14;
	s17 =	simm.s32 @!p1 $0x0;
	s16 =	sand.u32 @!p1 $0x200, s16  }
0x26: {  	[tilespmem:s16], [sflag:$0x2] =	stream.linear.gather @!p1 [hbm4b:s8+s17], $0x200, $0x38;
	[tilespmem:$0x8400] =	vst v63  }
0x27: {  	p1 =	sge.u32 s31, s7  }
.Ltmp2:
0x28: {  	_ = 	snop;
	(pc) =	sbr.rel @p1 .LBB2_5-.Ltmp2, $1  }
0x29: {  	_ =	sdelay $0x3  }
0x2a: {  	s16 =	simm.s32 $0x1;
	_ =	swait.ge [sflag:s6], $0x200  }
0x2b: {  	s16 =	simm.s32 @!p0 $0x0;
	[sflag:s6] =	ssyncset.done $0x0  }
0x2c: {  	s19 =	sshll.u32 s16, $0x9;
	[sflag:s6] =	ssyncadd.s32 $0xFFFFFE00  }
0x2d: {  	v0 =	vld.msk [tilespmem:s19+$0x0 ss:$0x1], $0xffff;
	_ =	sdelay $0x4  }
0x2e: {  	vm1 =	vgt.s32 v0, $0x0  }
0x2f: {  	v0 =	vnsel vm1, $0x0, v0  }
0x30: {  	v0 =	vmin.u32 v0, $0xF423F  }
0x31: {  	v1 =	vshll.u32 v0, $0x3  }
0x32: {  	v0 =	vand.u32 $0x7F, v0;
	v1 =	vand.u32 $0x7FFC00, v1  }
0x33: {  	s22 =	sshll.u32 s14, $0xE;
	v0 =	vor.u32 v0, v1  }
0x34: {  	s18 =	simm.s32 $0x0;
	s16 =	sand.u32 $0x4000, s22  }
0x35: {  	s20 =	sand.u32 $0xC00, s18;
	s17 =	sor.u32 $0x400, s16  }
0x36: {  	s21 =	sand.u32 $0x70, s18;
	(ifvalue) =	ssetifvalue $0x7FFFFFFF;
	s20 =	sadd.s32 s20, s17;
	v1 =	vor.u32 $0x80, v0  }
0x37: {  	(ifvalue) =	ssetifvalue $0x7FFFFFFF;
	s20 =	sadd.s32 s21, s20  }
0x38: {  	[tilespmem:s20], [sflag:$0x1] =	stream.indirect_vreg.gather [hbm4b:s2+s13], $0x1, v0, vm0, $0x4038;
	[tilespmem:$0x8400] =	vst v63  }
0x39: {  	v2 =	vor.u32 $0x100, v0;
	(ifvalue) =	ssetifvalue $0x7FFFFFFF  }
0x3a: {  	s21 =	sadd.s32 $0x80, s20;
	(ifvalue) =	ssetifvalue $0x7FFFFFFF  }
0x3b: {  	[tilespmem:s21], [sflag:$0x1] =	stream.indirect_vreg.gather [hbm4b:s2+s13], $0x1, v1, vm0, $0x4038;
	[tilespmem:$0x8400] =	vst v63  }
0x3c: {  	v1 =	vor.u32 $0x180, v0;
	(ifvalue) =	ssetifvalue $0x7FFFFFFF  }
0x3d: {  	s23 =	sadd.s32 $0x100, s20;
	(ifvalue) =	ssetifvalue $0x7FFFFFFF  }
0x3e: {  	[tilespmem:s23], [sflag:$0x1] =	stream.indirect_vreg.gather [hbm4b:s2+s13], $0x1, v2, vm0, $0x4038;
	[tilespmem:$0x8400] =	vst v63  }
0x3f: {  	v2 =	vor.u32 $0x200, v0;
	(ifvalue) =	ssetifvalue $0x7FFFFFFF  }
0x40: {  	s24 =	sadd.s32 $0x180, s20;
	(ifvalue) =	ssetifvalue $0x7FFFFFFF  }
0x41: {  	[tilespmem:s24], [sflag:$0x1] =	stream.indirect_vreg.gather [hbm4b:s2+s13], $0x1, v1, vm0, $0x4038;
	[tilespmem:$0x8400] =	vst v63  }
0x42: {  	(ifvalue) =	ssetifvalue $0x7FFFFFFF;
	v1 =	vor.u32 $0x280, v0  }
0x43: {  	s25 =	sadd.s32 $0x200, s20;
	(ifvalue) =	ssetifvalue $0x7FFFFFFF  }
0x44: {  	[tilespmem:s25], [sflag:$0x1] =	stream.indirect_vreg.gather [hbm4b:s2+s13], $0x1, v2, vm0, $0x4038;
	[tilespmem:$0x8400] =	vst v63  }
0x45: {  	(ifvalue) =	ssetifvalue $0x7FFFFFFF;
	v2 =	vor.u32 $0x300, v0  }
0x46: {  	s26 =	sadd.s32 $0x280, s20;
	(ifvalue) =	ssetifvalue $0x7FFFFFFF  }
0x47: {  	[tilespmem:s26], [sflag:$0x1] =	stream.indirect_vreg.gather [hbm4b:s2+s13], $0x1, v1, vm0, $0x4038;
	[tilespmem:$0x8400] =	vst v63  }
0x48: {  	(ifvalue) =	ssetifvalue $0x7FFFFFFF;
	v1 =	vor.u32 $0x380, v0  }
0x49: {  	s18 =	sor.u32 s18, s18;
	s28 =	sadd.s32 $0x300, s20;
	(ifvalue) =	ssetifvalue $0x7FFFFFFF  }
0x4a: {  	[tilespmem:s28], [sflag:$0x1] =	stream.indirect_vreg.gather [hbm4b:s2+s13], $0x1, v2, vm0, $0x4038;
	[tilespmem:$0x8400] =	vst v63  }
0x4b: {  	s18 =	sor.u32 $0x380, s18;
	(ifvalue) =	ssetifvalue $0x7FFFFFFF;
	v2 =	vadd.s32 $0x7A1400, v0  }
0x4c: {  	s18 =	sadd.s32 s18, s17;
	(ifvalue) =	ssetifvalue $0x7FFFFFFF  }
0x4d: {  	[tilespmem:s18], [sflag:$0x1] =	stream.indirect_vreg.gather [hbm4b:s2+s13], $0x1, v1, vm0, $0x4038;
	[tilespmem:$0x8400] =	vst v63  }
0x4e: {  	(ifvalue) =	ssetifvalue $0x7FFFFFFF;
	v1 =	vadd.s32 $0x7A1480, v0  }
0x4f: {  	s29 =	sadd.s32 $0x1000, s20;
	(ifvalue) =	ssetifvalue $0x7FFFFFFF  }
0x50: {  	[tilespmem:s29], [sflag:$0x1] =	stream.indirect_vreg.gather [hbm4b:s2+s13], $0x1, v2, vm0, $0x4038;
	[tilespmem:$0x8400] =	vst v63  }
0x51: {  	(ifvalue) =	ssetifvalue $0x7FFFFFFF;
	v2 =	vadd.s32 $0x7A1500, v0  }
0x52: {  	s30 =	sadd.s32 $0x1080, s20;
	(ifvalue) =	ssetifvalue $0x7FFFFFFF  }
0x53: {  	[tilespmem:s30], [sflag:$0x1] =	stream.indirect_vreg.gather [hbm4b:s2+s13], $0x1, v1, vm0, $0x4038;
	[tilespmem:$0x8400] =	vst v63  }
0x54: {  	(ifvalue) =	ssetifvalue $0x7FFFFFFF;
	v1 =	vadd.s32 $0x7A1580, v0  }
0x55: {  	s31 =	sadd.s32 $0x1100, s20;
	(ifvalue) =	ssetifvalue $0x7FFFFFFF  }
0x56: {  	[tilespmem:s31], [sflag:$0x1] =	stream.indirect_vreg.gather [hbm4b:s2+s13], $0x1, v2, vm0, $0x4038;
	[tilespmem:$0x8400] =	vst v63  }
0x57: {  	(ifvalue) =	ssetifvalue $0x7FFFFFFF;
	v2 =	vadd.s32 $0x7A1600, v0  }
0x58: {  	s21 =	sadd.s32 $0x1180, s20;
	(ifvalue) =	ssetifvalue $0x7FFFFFFF  }
0x59: {  	[tilespmem:s21], [sflag:$0x1] =	stream.indirect_vreg.gather [hbm4b:s2+s13], $0x1, v1, vm0, $0x4038;
	[tilespmem:$0x8400] =	vst v63  }
0x5a: {  	(ifvalue) =	ssetifvalue $0x7FFFFFFF;
	v1 =	vadd.s32 $0x7A1680, v0  }
0x5b: {  	s22 =	sadd.s32 $0x1200, s20;
	(ifvalue) =	ssetifvalue $0x7FFFFFFF  }
0x5c: {  	[tilespmem:s22], [sflag:$0x1] =	stream.indirect_vreg.gather [hbm4b:s2+s13], $0x1, v2, vm0, $0x4038;
	[tilespmem:$0x8400] =	vst v63  }
0x5d: {  	(ifvalue) =	ssetifvalue $0x7FFFFFFF;
	v2 =	vadd.s32 $0x7A1700, v0  }
0x5e: {  	s23 =	sadd.s32 $0x1280, s20;
	(ifvalue) =	ssetifvalue $0x7FFFFFFF  }
0x5f: {  	[tilespmem:s23], [sflag:$0x1] =	stream.indirect_vreg.gather [hbm4b:s2+s13], $0x1, v1, vm0, $0x4038;
	[tilespmem:$0x8400] =	vst v63  }
0x60: {  	(ifvalue) =	ssetifvalue $0x7FFFFFFF;
	v1 =	vadd.s32 $0x7A1780, v0  }
0x61: {  	s24 =	sadd.s32 $0x1300, s20;
	(ifvalue) =	ssetifvalue $0x7FFFFFFF  }
0x62: {  	[tilespmem:s24], [sflag:$0x1] =	stream.indirect_vreg.gather [hbm4b:s2+s13], $0x1, v2, vm0, $0x4038;
	[tilespmem:$0x8400] =	vst v63  }
0x63: {  	(ifvalue) =	ssetifvalue $0x7FFFFFFF;
	v2 =	vadd.s32 $0xF42800, v0  }
0x64: {  	s25 =	sadd.s32 $0x1380, s20;
	(ifvalue) =	ssetifvalue $0x7FFFFFFF  }
0x65: {  	[tilespmem:s25], [sflag:$0x1] =	stream.indirect_vreg.gather [hbm4b:s2+s13], $0x1, v1, vm0, $0x4038;
	[tilespmem:$0x8400] =	vst v63  }
0x66: {  	(ifvalue) =	ssetifvalue $0x7FFFFFFF;
	v1 =	vadd.s32 $0xF42880, v0  }
0x67: {  	s26 =	sadd.s32 $0x2000, s20;
	(ifvalue) =	ssetifvalue $0x7FFFFFFF  }
0x68: {  	[tilespmem:s26], [sflag:$0x1] =	stream.indirect_vreg.gather [hbm4b:s2+s13], $0x1, v2, vm0, $0x4038;
	[tilespmem:$0x8400] =	vst v63  }
0x69: {  	(ifvalue) =	ssetifvalue $0x7FFFFFFF;
	v2 =	vadd.s32 $0xF42900, v0  }
0x6a: {  	s28 =	sadd.s32 $0x2080, s20;
	(ifvalue) =	ssetifvalue $0x7FFFFFFF  }
0x6b: {  	[tilespmem:s28], [sflag:$0x1] =	stream.indirect_vreg.gather [hbm4b:s2+s13], $0x1, v1, vm0, $0x4038;
	[tilespmem:$0x8400] =	vst v63  }
0x6c: {  	(ifvalue) =	ssetifvalue $0x7FFFFFFF;
	v1 =	vadd.s32 $0xF42980, v0  }
0x6d: {  	s29 =	sadd.s32 $0x2100, s20;
	(ifvalue) =	ssetifvalue $0x7FFFFFFF  }
0x6e: {  	[tilespmem:s29], [sflag:$0x1] =	stream.indirect_vreg.gather [hbm4b:s2+s13], $0x1, v2, vm0, $0x4038;
	[tilespmem:$0x8400] =	vst v63  }
0x6f: {  	(ifvalue) =	ssetifvalue $0x7FFFFFFF;
	v2 =	vadd.s32 $0xF42A00, v0  }
0x70: {  	s30 =	sadd.s32 $0x2180, s20;
	(ifvalue) =	ssetifvalue $0x7FFFFFFF  }
0x71: {  	[tilespmem:s30], [sflag:$0x1] =	stream.indirect_vreg.gather [hbm4b:s2+s13], $0x1, v1, vm0, $0x4038;
	[tilespmem:$0x8400] =	vst v63  }
0x72: {  	(ifvalue) =	ssetifvalue $0x7FFFFFFF;
	v1 =	vadd.s32 $0xF42A80, v0  }
0x73: {  	s31 =	sadd.s32 $0x2200, s20;
	(ifvalue) =	ssetifvalue $0x7FFFFFFF  }
0x74: {  	[tilespmem:s31], [sflag:$0x1] =	stream.indirect_vreg.gather [hbm4b:s2+s13], $0x1, v2, vm0, $0x4038;
	[tilespmem:$0x8400] =	vst v63  }
0x75: {  	(ifvalue) =	ssetifvalue $0x7FFFFFFF;
	v2 =	vadd.s32 $0xF42B00, v0  }
0x76: {  	s21 =	sadd.s32 $0x2280, s20;
	(ifvalue) =	ssetifvalue $0x7FFFFFFF  }
0x77: {  	[tilespmem:s21], [sflag:$0x1] =	stream.indirect_vreg.gather [hbm4b:s2+s13], $0x1, v1, vm0, $0x4038;
	[tilespmem:$0x8400] =	vst v63  }
0x78: {  	(ifvalue) =	ssetifvalue $0x7FFFFFFF;
	v1 =	vadd.s32 $0xF42B80, v0  }
0x79: {  	s22 =	sadd.s32 $0x2300, s20;
	(ifvalue) =	ssetifvalue $0x7FFFFFFF  }
0x7a: {  	[tilespmem:s22], [sflag:$0x1] =	stream.indirect_vreg.gather [hbm4b:s2+s13], $0x1, v2, vm0, $0x4038;
	[tilespmem:$0x8400] =	vst v63  }
0x7b: {  	(ifvalue) =	ssetifvalue $0x7FFFFFFF;
	v2 =	vadd.s32 $0x16E3C00, v0  }
0x7c: {  	s23 =	sadd.s32 $0x2380, s20;
	(ifvalue) =	ssetifvalue $0x7FFFFFFF  }
0x7d: {  	[tilespmem:s23], [sflag:$0x1] =	stream.indirect_vreg.gather [hbm4b:s2+s13], $0x1, v1, vm0, $0x4038;
	[tilespmem:$0x8400] =	vst v63  }
0x7e: {  	(ifvalue) =	ssetifvalue $0x7FFFFFFF;
	v1 =	vadd.s32 $0x16E3C80, v0  }
0x7f: {  	s24 =	sadd.s32 $0x3000, s20;
	(ifvalue) =	ssetifvalue $0x7FFFFFFF  }
0x80: {  	[tilespmem:s24], [sflag:$0x1] =	stream.indirect_vreg.gather [hbm4b:s2+s13], $0x1, v2, vm0, $0x4038;
	[tilespmem:$0x8400] =	vst v63  }
0x81: {  	(ifvalue) =	ssetifvalue $0x7FFFFFFF;
	v2 =	vadd.s32 $0x16E3D00, v0  }
0x82: {  	s25 =	sadd.s32 $0x3080, s20;
	(ifvalue) =	ssetifvalue $0x7FFFFFFF  }
0x83: {  	[tilespmem:s25], [sflag:$0x1] =	stream.indirect_vreg.gather [hbm4b:s2+s13], $0x1, v1, vm0, $0x4038;
	[tilespmem:$0x8400] =	vst v63  }
0x84: {  	(ifvalue) =	ssetifvalue $0x7FFFFFFF;
	v1 =	vadd.s32 $0x16E3D80, v0  }
0x85: {  	s26 =	sadd.s32 $0x3100, s20;
	(ifvalue) =	ssetifvalue $0x7FFFFFFF  }
0x86: {  	[tilespmem:s26], [sflag:$0x1] =	stream.indirect_vreg.gather [hbm4b:s2+s13], $0x1, v2, vm0, $0x4038;
	[tilespmem:$0x8400] =	vst v63  }
0x87: {  	(ifvalue) =	ssetifvalue $0x7FFFFFFF;
	v2 =	vadd.s32 $0x16E3E00, v0  }
0x88: {  	s28 =	sadd.s32 $0x3180, s20;
	(ifvalue) =	ssetifvalue $0x7FFFFFFF  }
0x89: {  	[tilespmem:s28], [sflag:$0x1] =	stream.indirect_vreg.gather [hbm4b:s2+s13], $0x1, v1, vm0, $0x4038;
	[tilespmem:$0x8400] =	vst v63  }
0x8a: {  	(ifvalue) =	ssetifvalue $0x7FFFFFFF;
	v1 =	vadd.s32 $0x16E3E80, v0  }
0x8b: {  	s29 =	sadd.s32 $0x3200, s20;
	(ifvalue) =	ssetifvalue $0x7FFFFFFF  }
0x8c: {  	[tilespmem:s29], [sflag:$0x1] =	stream.indirect_vreg.gather [hbm4b:s2+s13], $0x1, v2, vm0, $0x4038;
	[tilespmem:$0x8400] =	vst v63  }
0x8d: {  	(ifvalue) =	ssetifvalue $0x7FFFFFFF;
	v2 =	vadd.s32 $0x16E3F00, v0  }
0x8e: {  	s30 =	sadd.s32 $0x3280, s20;
	(ifvalue) =	ssetifvalue $0x7FFFFFFF  }
0x8f: {  	[tilespmem:s30], [sflag:$0x1] =	stream.indirect_vreg.gather [hbm4b:s2+s13], $0x1, v1, vm0, $0x4038;
	[tilespmem:$0x8400] =	vst v63  }
0x90: {  	v0 =	vadd.s32 $0x16E3F80, v0;
	(ifvalue) =	ssetifvalue $0x7FFFFFFF  }
0x91: {  	s31 =	sadd.s32 $0x3300, s20;
	(ifvalue) =	ssetifvalue $0x7FFFFFFF  }
0x92: {  	[tilespmem:s31], [sflag:$0x1] =	stream.indirect_vreg.gather [hbm4b:s2+s13], $0x1, v2, vm0, $0x4038;
	[tilespmem:$0x8400] =	vst v63  }
0x93: {  	s19 =	sadd.s32 $0x10, s19;
	s18 =	simm.s32 $0x10;
	(ifvalue) =	ssetifvalue $0x7FFFFFFF  }
0x94: {  	s21 =	sadd.s32 $0x3380, s20;
	s20 =	simm.s32 $0x80;
	(ifvalue) =	ssetifvalue $0x7FFFFFFF  }
.LBB2_3:
0x95: {  	[tilespmem:s21], [sflag:$0x1] =	stream.indirect_vreg.gather [hbm4b:s2+s13], $0x1, v0, vm0, $0x4038;
	[tilespmem:$0x8400] =	vst v63  }
0x96: {  	p1 =	sne.s32 s18, $0x1F0;
	s22 =	smov.u32 s18;
	s18 =	sadd.s32 $0x10, s18;
	v0 =	vld.msk [tilespmem:s19+$0x0 ss:$0x1], $0xffff  }
0x97: {  	(ifvalue) =	ssetifvalue $0x7FFFFFFF;
	_ =	sdelay $0x4  }
0x98: {  	vm1 =	vgt.s32 v0, $0x0  }
0x99: {  	v0 =	vnsel vm1, $0x0, v0  }
0x9a: {  	v0 =	vmin.u32 v0, $0xF423F  }
0x9b: {  	v1 =	vshll.u32 v0, $0x3  }
0x9c: {  	v0 =	vand.u32 $0x7F, v0;
	v1 =	vand.u32 $0x7FFC00, v1  }
0x9d: {  	v0 =	vor.u32 v0, v1;
	_ =	sdelay $0x1  }
0x9e: {  	s21 =	sand.u32 $0xC00, s20  }
0x9f: {  	s23 =	sand.u32 $0x70, s22;
	s21 =	sadd.s32 s21, s17;
	v1 =	vor.u32 $0x80, v0  }
0xa0: {  	s21 =	sadd.s32 s23, s21;
	(ifvalue) =	ssetifvalue $0x7FFFFFFF  }
0xa1: {  	[tilespmem:s21], [sflag:$0x1] =	stream.indirect_vreg.gather [hbm4b:s2+s13], $0x1, v0, vm0, $0x4038;
	[tilespmem:$0x8400] =	vst v63  }
0xa2: {  	v2 =	vor.u32 $0x100, v0;
	(ifvalue) =	ssetifvalue $0x7FFFFFFF  }
0xa3: {  	s23 =	sadd.s32 $0x80, s21;
	(ifvalue) =	ssetifvalue $0x7FFFFFFF  }
0xa4: {  	[tilespmem:s23], [sflag:$0x1] =	stream.indirect_vreg.gather [hbm4b:s2+s13], $0x1, v1, vm0, $0x4038;
	[tilespmem:$0x8400] =	vst v63  }
0xa5: {  	v1 =	vor.u32 $0x180, v0;
	(ifvalue) =	ssetifvalue $0x7FFFFFFF  }
0xa6: {  	s23 =	sadd.s32 $0x100, s21;
	(ifvalue) =	ssetifvalue $0x7FFFFFFF  }
0xa7: {  	[tilespmem:s23], [sflag:$0x1] =	stream.indirect_vreg.gather [hbm4b:s2+s13], $0x1, v2, vm0, $0x4038;
	[tilespmem:$0x8400] =	vst v63  }
0xa8: {  	v2 =	vor.u32 $0x200, v0;
	(ifvalue) =	ssetifvalue $0x7FFFFFFF  }
0xa9: {  	s23 =	sadd.s32 $0x180, s21;
	(ifvalue) =	ssetifvalue $0x7FFFFFFF  }
0xaa: {  	[tilespmem:s23], [sflag:$0x1] =	stream.indirect_vreg.gather [hbm4b:s2+s13], $0x1, v1, vm0, $0x4038;
	[tilespmem:$0x8400] =	vst v63  }
0xab: {  	v1 =	vor.u32 $0x280, v0;
	(ifvalue) =	ssetifvalue $0x7FFFFFFF  }
0xac: {  	s23 =	sadd.s32 $0x200, s21;
	(ifvalue) =	ssetifvalue $0x7FFFFFFF  }
0xad: {  	[tilespmem:s23], [sflag:$0x1] =	stream.indirect_vreg.gather [hbm4b:s2+s13], $0x1, v2, vm0, $0x4038;
	[tilespmem:$0x8400] =	vst v63  }
0xae: {  	v2 =	vor.u32 $0x300, v0;
	(ifvalue) =	ssetifvalue $0x7FFFFFFF  }
0xaf: {  	s23 =	sadd.s32 $0x280, s21;
	(ifvalue) =	ssetifvalue $0x7FFFFFFF  }
0xb0: {  	[tilespmem:s23], [sflag:$0x1] =	stream.indirect_vreg.gather [hbm4b:s2+s13], $0x1, v1, vm0, $0x4038;
	[tilespmem:$0x8400] =	vst v63  }
0xb1: {  	v1 =	vor.u32 $0x380, v0;
	(ifvalue) =	ssetifvalue $0x7FFFFFFF  }
0xb2: {  	s22 =	sor.u32 s20, s22;
	s23 =	sadd.s32 $0x300, s21;
	(ifvalue) =	ssetifvalue $0x7FFFFFFF  }
0xb3: {  	[tilespmem:s23], [sflag:$0x1] =	stream.indirect_vreg.gather [hbm4b:s2+s13], $0x1, v2, vm0, $0x4038;
	[tilespmem:$0x8400] =	vst v63  }
0xb4: {  	s22 =	sor.u32 $0x380, s22;
	v2 =	vadd.s32 $0x7A1400, v0;
	(ifvalue) =	ssetifvalue $0x7FFFFFFF  }
0xb5: {  	s22 =	sadd.s32 s22, s17;
	(ifvalue) =	ssetifvalue $0x7FFFFFFF  }
0xb6: {  	[tilespmem:s22], [sflag:$0x1] =	stream.indirect_vreg.gather [hbm4b:s2+s13], $0x1, v1, vm0, $0x4038;
	[tilespmem:$0x8400] =	vst v63  }
0xb7: {  	v1 =	vadd.s32 $0x7A1480, v0;
	(ifvalue) =	ssetifvalue $0x7FFFFFFF  }
0xb8: {  	s22 =	sadd.s32 $0x1000, s21;
	(ifvalue) =	ssetifvalue $0x7FFFFFFF  }
0xb9: {  	[tilespmem:s22], [sflag:$0x1] =	stream.indirect_vreg.gather [hbm4b:s2+s13], $0x1, v2, vm0, $0x4038;
	[tilespmem:$0x8400] =	vst v63  }
0xba: {  	v2 =	vadd.s32 $0x7A1500, v0;
	(ifvalue) =	ssetifvalue $0x7FFFFFFF  }
0xbb: {  	s22 =	sadd.s32 $0x1080, s21;
	(ifvalue) =	ssetifvalue $0x7FFFFFFF  }
0xbc: {  	[tilespmem:s22], [sflag:$0x1] =	stream.indirect_vreg.gather [hbm4b:s2+s13], $0x1, v1, vm0, $0x4038;
	[tilespmem:$0x8400] =	vst v63  }
0xbd: {  	v1 =	vadd.s32 $0x7A1580, v0;
	(ifvalue) =	ssetifvalue $0x7FFFFFFF  }
0xbe: {  	s22 =	sadd.s32 $0x1100, s21;
	(ifvalue) =	ssetifvalue $0x7FFFFFFF  }
0xbf: {  	[tilespmem:s22], [sflag:$0x1] =	stream.indirect_vreg.gather [hbm4b:s2+s13], $0x1, v2, vm0, $0x4038;
	[tilespmem:$0x8400] =	vst v63  }
0xc0: {  	v2 =	vadd.s32 $0x7A1600, v0;
	(ifvalue) =	ssetifvalue $0x7FFFFFFF  }
0xc1: {  	s22 =	sadd.s32 $0x1180, s21;
	(ifvalue) =	ssetifvalue $0x7FFFFFFF  }
0xc2: {  	[tilespmem:s22], [sflag:$0x1] =	stream.indirect_vreg.gather [hbm4b:s2+s13], $0x1, v1, vm0, $0x4038;
	[tilespmem:$0x8400] =	vst v63  }
0xc3: {  	v1 =	vadd.s32 $0x7A1680, v0;
	(ifvalue) =	ssetifvalue $0x7FFFFFFF  }
0xc4: {  	s22 =	sadd.s32 $0x1200, s21;
	(ifvalue) =	ssetifvalue $0x7FFFFFFF  }
0xc5: {  	[tilespmem:s22], [sflag:$0x1] =	stream.indirect_vreg.gather [hbm4b:s2+s13], $0x1, v2, vm0, $0x4038;
	[tilespmem:$0x8400] =	vst v63  }
0xc6: {  	v2 =	vadd.s32 $0x7A1700, v0;
	(ifvalue) =	ssetifvalue $0x7FFFFFFF  }
0xc7: {  	s22 =	sadd.s32 $0x1280, s21;
	(ifvalue) =	ssetifvalue $0x7FFFFFFF  }
0xc8: {  	[tilespmem:s22], [sflag:$0x1] =	stream.indirect_vreg.gather [hbm4b:s2+s13], $0x1, v1, vm0, $0x4038;
	[tilespmem:$0x8400] =	vst v63  }
0xc9: {  	v1 =	vadd.s32 $0x7A1780, v0;
	(ifvalue) =	ssetifvalue $0x7FFFFFFF  }
0xca: {  	s22 =	sadd.s32 $0x1300, s21;
	(ifvalue) =	ssetifvalue $0x7FFFFFFF  }
0xcb: {  	[tilespmem:s22], [sflag:$0x1] =	stream.indirect_vreg.gather [hbm4b:s2+s13], $0x1, v2, vm0, $0x4038;
	[tilespmem:$0x8400] =	vst v63  }
0xcc: {  	v2 =	vadd.s32 $0xF42800, v0;
	(ifvalue) =	ssetifvalue $0x7FFFFFFF  }
0xcd: {  	s22 =	sadd.s32 $0x1380, s21;
	(ifvalue) =	ssetifvalue $0x7FFFFFFF  }
0xce: {  	[tilespmem:s22], [sflag:$0x1] =	stream.indirect_vreg.gather [hbm4b:s2+s13], $0x1, v1, vm0, $0x4038;
	[tilespmem:$0x8400] =	vst v63  }
0xcf: {  	v1 =	vadd.s32 $0xF42880, v0;
	(ifvalue) =	ssetifvalue $0x7FFFFFFF  }
0xd0: {  	s22 =	sadd.s32 $0x2000, s21;
	(ifvalue) =	ssetifvalue $0x7FFFFFFF  }
0xd1: {  	[tilespmem:s22], [sflag:$0x1] =	stream.indirect_vreg.gather [hbm4b:s2+s13], $0x1, v2, vm0, $0x4038;
	[tilespmem:$0x8400] =	vst v63  }
0xd2: {  	v2 =	vadd.s32 $0xF42900, v0;
	(ifvalue) =	ssetifvalue $0x7FFFFFFF  }
0xd3: {  	s22 =	sadd.s32 $0x2080, s21;
	(ifvalue) =	ssetifvalue $0x7FFFFFFF  }
0xd4: {  	[tilespmem:s22], [sflag:$0x1] =	stream.indirect_vreg.gather [hbm4b:s2+s13], $0x1, v1, vm0, $0x4038;
	[tilespmem:$0x8400] =	vst v63  }
0xd5: {  	v1 =	vadd.s32 $0xF42980, v0;
	(ifvalue) =	ssetifvalue $0x7FFFFFFF  }
0xd6: {  	s22 =	sadd.s32 $0x2100, s21;
	(ifvalue) =	ssetifvalue $0x7FFFFFFF  }
0xd7: {  	[tilespmem:s22], [sflag:$0x1] =	stream.indirect_vreg.gather [hbm4b:s2+s13], $0x1, v2, vm0, $0x4038;
	[tilespmem:$0x8400] =	vst v63  }
0xd8: {  	v2 =	vadd.s32 $0xF42A00, v0;
	(ifvalue) =	ssetifvalue $0x7FFFFFFF  }
0xd9: {  	s22 =	sadd.s32 $0x2180, s21;
	(ifvalue) =	ssetifvalue $0x7FFFFFFF  }
0xda: {  	[tilespmem:s22], [sflag:$0x1] =	stream.indirect_vreg.gather [hbm4b:s2+s13], $0x1, v1, vm0, $0x4038;
	[tilespmem:$0x8400] =	vst v63  }
0xdb: {  	v1 =	vadd.s32 $0xF42A80, v0;
	(ifvalue) =	ssetifvalue $0x7FFFFFFF  }
0xdc: {  	s22 =	sadd.s32 $0x2200, s21;
	(ifvalue) =	ssetifvalue $0x7FFFFFFF  }
0xdd: {  	[tilespmem:s22], [sflag:$0x1] =	stream.indirect_vreg.gather [hbm4b:s2+s13], $0x1, v2, vm0, $0x4038;
	[tilespmem:$0x8400] =	vst v63  }
0xde: {  	v2 =	vadd.s32 $0xF42B00, v0;
	(ifvalue) =	ssetifvalue $0x7FFFFFFF  }
0xdf: {  	s22 =	sadd.s32 $0x2280, s21;
	(ifvalue) =	ssetifvalue $0x7FFFFFFF  }
0xe0: {  	[tilespmem:s22], [sflag:$0x1] =	stream.indirect_vreg.gather [hbm4b:s2+s13], $0x1, v1, vm0, $0x4038;
	[tilespmem:$0x8400] =	vst v63  }
0xe1: {  	v1 =	vadd.s32 $0xF42B80, v0;
	(ifvalue) =	ssetifvalue $0x7FFFFFFF  }
0xe2: {  	s22 =	sadd.s32 $0x2300, s21;
	(ifvalue) =	ssetifvalue $0x7FFFFFFF  }
0xe3: {  	[tilespmem:s22], [sflag:$0x1] =	stream.indirect_vreg.gather [hbm4b:s2+s13], $0x1, v2, vm0, $0x4038;
	[tilespmem:$0x8400] =	vst v63  }
0xe4: {  	v2 =	vadd.s32 $0x16E3C00, v0;
	(ifvalue) =	ssetifvalue $0x7FFFFFFF  }
0xe5: {  	s22 =	sadd.s32 $0x2380, s21;
	(ifvalue) =	ssetifvalue $0x7FFFFFFF  }
0xe6: {  	[tilespmem:s22], [sflag:$0x1] =	stream.indirect_vreg.gather [hbm4b:s2+s13], $0x1, v1, vm0, $0x4038;
	[tilespmem:$0x8400] =	vst v63  }
0xe7: {  	v1 =	vadd.s32 $0x16E3C80, v0;
	(ifvalue) =	ssetifvalue $0x7FFFFFFF  }
0xe8: {  	s22 =	sadd.s32 $0x3000, s21;
	(ifvalue) =	ssetifvalue $0x7FFFFFFF  }
0xe9: {  	[tilespmem:s22], [sflag:$0x1] =	stream.indirect_vreg.gather [hbm4b:s2+s13], $0x1, v2, vm0, $0x4038;
	[tilespmem:$0x8400] =	vst v63  }
0xea: {  	v2 =	vadd.s32 $0x16E3D00, v0;
	(ifvalue) =	ssetifvalue $0x7FFFFFFF  }
0xeb: {  	s22 =	sadd.s32 $0x3080, s21;
	(ifvalue) =	ssetifvalue $0x7FFFFFFF  }
0xec: {  	[tilespmem:s22], [sflag:$0x1] =	stream.indirect_vreg.gather [hbm4b:s2+s13], $0x1, v1, vm0, $0x4038;
	[tilespmem:$0x8400] =	vst v63  }
0xed: {  	v1 =	vadd.s32 $0x16E3D80, v0;
	(ifvalue) =	ssetifvalue $0x7FFFFFFF  }
0xee: {  	s22 =	sadd.s32 $0x3100, s21;
	(ifvalue) =	ssetifvalue $0x7FFFFFFF  }
0xef: {  	[tilespmem:s22], [sflag:$0x1] =	stream.indirect_vreg.gather [hbm4b:s2+s13], $0x1, v2, vm0, $0x4038;
	[tilespmem:$0x8400] =	vst v63  }
0xf0: {  	v2 =	vadd.s32 $0x16E3E00, v0;
	(ifvalue) =	ssetifvalue $0x7FFFFFFF  }
0xf1: {  	s22 =	sadd.s32 $0x3180, s21;
	(ifvalue) =	ssetifvalue $0x7FFFFFFF  }
0xf2: {  	[tilespmem:s22], [sflag:$0x1] =	stream.indirect_vreg.gather [hbm4b:s2+s13], $0x1, v1, vm0, $0x4038;
	[tilespmem:$0x8400] =	vst v63  }
0xf3: {  	v1 =	vadd.s32 $0x16E3E80, v0;
	(ifvalue) =	ssetifvalue $0x7FFFFFFF  }
0xf4: {  	s22 =	sadd.s32 $0x3200, s21;
	(ifvalue) =	ssetifvalue $0x7FFFFFFF  }
0xf5: {  	[tilespmem:s22], [sflag:$0x1] =	stream.indirect_vreg.gather [hbm4b:s2+s13], $0x1, v2, vm0, $0x4038;
	[tilespmem:$0x8400] =	vst v63  }
0xf6: {  	v2 =	vadd.s32 $0x16E3F00, v0;
	(ifvalue) =	ssetifvalue $0x7FFFFFFF  }
0xf7: {  	s22 =	sadd.s32 $0x3280, s21;
	(ifvalue) =	ssetifvalue $0x7FFFFFFF  }
0xf8: {  	[tilespmem:s22], [sflag:$0x1] =	stream.indirect_vreg.gather [hbm4b:s2+s13], $0x1, v1, vm0, $0x4038;
	[tilespmem:$0x8400] =	vst v63  }
.Ltmp3:
0xf9: {  	v0 =	vadd.s32 $0x16E3F80, v0;
	(ifvalue) =	ssetifvalue $0x7FFFFFFF;
	(pc) =	sbr.rel @p1 .LBB2_3-.Ltmp3, $4  }
0xfa: {  	s22 =	sadd.s32 $0x3300, s21;
	(ifvalue) =	ssetifvalue $0x7FFFFFFF  }
0xfb: {  	[tilespmem:s22], [sflag:$0x1] =	stream.indirect_vreg.gather [hbm4b:s2+s13], $0x1, v2, vm0, $0x4038;
	[tilespmem:$0x8400] =	vst v63  }
0xfc: {  	s19 =	sadd.s32 $0x10, s19;
	(ifvalue) =	ssetifvalue $0x7FFFFFFF  }
0xfd: {  	s20 =	sadd.s32 $0x80, s20;
	s21 =	sadd.s32 $0x3380, s21;
	(ifvalue) =	ssetifvalue $0x7FFFFFFF  }
.Ltmp4:
0xfe: {  	_ = 	snop;
	(pc) =	sbr.rel .LBB2_4-.Ltmp4, $1  }
0xff: {  	_ =	sdelay $0x3  }
.LBB2_6:
0x100: {  	_ =	sfence.sel $0x180000  }
0x101: {  	s2 =	simm.s32 $0x2;
	[bflag:$0x0] =	sbarrier.arrive $0xFFFF  }
0x102: {  	s30 =	simm.s32 $0x3;
	[sflag:s2] =	ssyncpa.u1 $0x1  }
0x103: {  	s31 =	simm.s32 $0x1;
	[sflag:s30] =	ssyncpa.u1 $0x1  }
0x104: {  	[sflag:s31] =	ssyncpa.u1 $0x1  }
0x105: {  	p0 =	sne.s32 s1, $0x0;
	_ =	strace $0x90000047  }
0x106: {  	s0 =	sadd.s32 @!p0 $0x100000, s0;
	[bflag:$0x2] =	sbarrier.arrive $0xFFFF  }
0x107: {  	[sflag:s0] =	ssyncadd.tile.s32 @!p0 $0x1;
	_ =	shalt  }
.Lfunc_end2:
_tile_overlayer_lowered:
.L_overlay_start_2:
0x108: {  	(tag) =	ssettag $0x2  }
0x109: {  	s0 =	rddreg [dreg:$0x0];
	s2 =	stileid.u32  }
0x10a: {  	s1 =	rddreg [dreg:$0x1];
	p0 =	sne.s32 s2, $0x0  }
0x10b: {  	s3 =	rddreg [dreg:$0x2];
	[bflag:$0x3] =	sbarrier.arrive $0xFFFF;
	s2 =	simm.s32 @!p0 $0x1C01  }
0x10c: {  	[timem:s3], [sflag:s2] =	dma.local @!p0 [hbm:s0], s1  }
0x10d: {  	s0 =	simm.s32 @!p0 $0x1  }
0x10e: {  	_ =	swait.ge @!p0 [sflag:s0], s1  }
0x10f: {  	s1 =	ssub.s32 @!p0 $0x0, s1;
	[sflag:s0] =	ssyncset.done @!p0 $0x0  }
0x110: {  	[sflag:s0] =	ssyncadd.s32 @!p0 s1  }
0x111: {  	[bflag:$0x3] =	sbarrier.arrive $0xFFFF  }
0x112: {  	_ =	shalt  }

// kernel: kernel.4.cloned.1.call-start
scs
__scs_entry_jumppad:
0x0: {  	(pc) =	sbr.rel $0x88, $3  }
0x1: {  	(tag) =	ssettag $0x0;
	lr =	simm.s32 $0x1  }
0x2: {  	[smem:$0x3F93] =	sst lr;
	_ =	strace $0xD0000000  }
0x3: {  	_ = 	snop  }
0x4: {  	_ = 	snop  }
0x5: {  	_ = 	snop  }
0x6: {  	_ = 	snop  }
0x7: {  	_ = 	snop  }
__scs_overlays_trampoline_lowered:
0x8: {  	[smem:$0x3FA2] =	sst s0  }
0x9: {  	[smem:$0x3FA3] =	sst s1  }
0xa: {  	[smem:$0x3FA4] =	sst s2  }
0xb: {  	[smem:$0x3FA5] =	sst s3  }
0xc: {  	[smem:$0x3FA6] =	sst s4  }
0xd: {  	[smem:$0x3FA7] =	sst s5  }
0xe: {  	[smem:$0x3FA8] =	sst s6  }
0xf: {  	[smem:$0x3FA9] =	sst s7  }
0x10: {  	[smem:$0x3FAA] =	sst s8  }
0x11: {  	[smem:$0x3FAB] =	sst s9;
	s0 =	simm.s32 @!p0 $0x0  }
0x12: {  	s1 =	sld [smem:$0x3F91];
	s0 =	simm.s32 @p0 $0x1  }
0x13: {  	[smem:$0x3FAC] =	sst s0;
	s0 =	simm.s32 @!p1 $0x0  }
0x14: {  	s2 =	sld [smem:$0x3F90];
	s0 =	simm.s32 @p1 $0x1  }
0x15: {  	[smem:$0x3FAD] =	sst s0;
	s0 =	simm.s32 @!p2 $0x0  }
0x16: {  	s3 =	sld [smem:$0x3FDB];
	s0 =	simm.s32 @p2 $0x1  }
0x17: {  	s4 =	simm.s32 $0x1BF5;
	[smem:$0x3FAF] =	sst s0  }
0x18: {  	s0 =	sld [smem:$0x3F92];
	_ =	swait.ge [sflag:s4], $0x0  }
0x19: {  	s7 =	sld [smem:$0x3F93]  }
0x1a: {  	s8 =	sadd.s32 $0xFFFFE003, lr  }
0x1b: {  	s9 =	sadd.s32 $0xFFFFFEF7, lr;
	s5 =	simm.s32 $0xFFFFFFFF;
	p2 =	slt.u32 s8, $0xFFFFF086  }
0x1c: {  	p1 =	slt.u32 s9, $0xF7A;
	s5 =	simm.s32 @!p2 $0x0  }
0x1d: {  	s5 =	simm.s32 @p1 $0x1;
	p0 =	seq.s32 s7, s2  }
0x1e: {  	s7 =	smul.u32 @!p0 $0xF7A, s2;
	p2 =	seq.s32 @!p0 s5, $0x0  }
0x1f: {  	s9 =	smul.u32 $0xF7A, s1;
	s8 =	simm.s32 @!p0 $0x1BF5;
	p2 =	por !p2, p0  }
0x20: {  	[sflag:s8] =	ssyncset.s32 @!p0 $0xFFFFF086;
	s6 =	sadd.s32 @!p0 s3, s7;
	s7 =	simm.s32 @!p0 $0x108  }
0x21: {  	s3 =	sadd.s32 s3, s9;
	s6 =	sadd.s32 @!p0 $0x88, s6;
	s7 =	simm.s32 @p2 $0x1082  }
0x22: {  	[simem:s7], [sflag:s8] =	dma.local @!p0 [hbm:s6], $0xF7A  }
0x23: {  	s9 =	sor.u32 $0xD0000000, s2;
	s6 =	simm.s32 $0x108;
	_ =	swait.ge @!p0 [sflag:s8], $0x0  }
0x24: {  	s3 =	sadd.s32 $0x88, s3;
	s6 =	simm.s32 @!p1 $0x1082;
	[sflag:s4] =	ssyncset.s32 $0xFFFFF086  }
0x25: {  	[simem:s6], [sflag:s4] =	dma.local [hbm:s3], $0xF7A  }
0x26: {  	[smem:$0x3F93] =	sst s1;
	(tag) =	ssettag s2;
	_ =	strace s9  }
0x27: {  	s1 =	sld [smem:$0x3FA3]  }
0x28: {  	s2 =	sld [smem:$0x3FA4]  }
0x29: {  	s4 =	sld [smem:$0x3FA6]  }
0x2a: {  	p0 =	seq.s32 s5, $0x0;
	s5 =	sld [smem:$0x3FA7]  }
0x2b: {  	s6 =	sld [smem:$0x3FA8]  }
0x2c: {  	s7 =	sld [smem:$0x3FA9]  }
0x2d: {  	s3 =	simm.s32 $0x108;
	s8 =	sld [smem:$0x3FAA]  }
0x2e: {  	s3 =	simm.s32 @!p0 $0x1082;
	s9 =	sld [smem:$0x3FAB]  }
0x2f: {  	lr =	sadd.s32 s0, s3;
	s0 =	sld [smem:$0x3FA2]  }
0x30: {  	s3 =	sld [smem:$0x3FA5]  }
0x31: {  	[smem:$0x3FAE] =	sst s10  }
0x32: {  	s10 =	sld [smem:$0x3FAC];
	_ =	sdelay $0x3  }
0x33: {  	p0 =	seq.s32 s10, $0x1;
	s10 =	sld [smem:$0x3FAE];
	_ =	sdelay $0x3  }
0x34: {  	[smem:$0x3FAE] =	sst s10  }
0x35: {  	s10 =	sld [smem:$0x3FAD];
	_ =	sdelay $0x3  }
0x36: {  	p1 =	seq.s32 s10, $0x1;
	s10 =	sld [smem:$0x3FAE];
	_ =	sdelay $0x3  }
0x37: {  	[smem:$0x3FAE] =	sst s10  }
0x38: {  	s10 =	sld [smem:$0x3FAF]  }
0x39: {  	_ = 	snop;
	(pc) =	sbr.ind lr, $3  }
0x3a: {  	_ = 	snop  }
0x3b: {  	_ = 	snop  }
0x3c: {  	p2 =	seq.s32 s10, $0x1;
	s10 =	sld [smem:$0x3FAE]  }
0x3d: {  	_ =	shalt  }
0x3e: {  	_ =	shalt  }
0x3f: {  	_ =	shalt  }
0x40: {  	_ =	shalt  }
0x41: {  	_ =	shalt  }
0x42: {  	_ =	shalt  }
0x43: {  	_ =	shalt  }
0x44: {  	_ =	shalt  }
0x45: {  	_ =	shalt  }
0x46: {  	_ =	shalt  }
0x47: {  	_ =	shalt  }
0x48: {  	_ =	shalt  }
0x49: {  	_ =	shalt  }
0x4a: {  	_ =	shalt  }
0x4b: {  	_ =	shalt  }
0x4c: {  	_ =	shalt  }
0x4d: {  	_ =	shalt  }
0x4e: {  	_ =	shalt  }
0x4f: {  	_ =	shalt  }
0x50: {  	_ =	shalt  }
0x51: {  	_ =	shalt  }
0x52: {  	_ =	shalt  }
0x53: {  	_ =	shalt  }
0x54: {  	_ =	shalt  }
0x55: {  	_ =	shalt  }
0x56: {  	_ =	shalt  }
0x57: {  	_ =	shalt  }
0x58: {  	_ =	shalt  }
0x59: {  	_ =	shalt  }
0x5a: {  	_ =	shalt  }
0x5b: {  	_ =	shalt  }
0x5c: {  	_ =	shalt  }
0x5d: {  	_ =	shalt  }
0x5e: {  	_ =	shalt  }
0x5f: {  	_ =	shalt  }
0x60: {  	_ =	shalt  }
0x61: {  	_ =	shalt  }
0x62: {  	_ =	shalt  }
0x63: {  	_ =	shalt  }
0x64: {  	_ =	shalt  }
0x65: {  	_ =	shalt  }
0x66: {  	_ =	shalt  }
0x67: {  	_ =	shalt  }
0x68: {  	_ =	shalt  }
0x69: {  	_ =	shalt  }
0x6a: {  	_ =	shalt  }
0x6b: {  	_ =	shalt  }
0x6c: {  	_ =	shalt  }
0x6d: {  	_ =	shalt  }
0x6e: {  	_ =	shalt  }
0x6f: {  	_ =	shalt  }
0x70: {  	_ =	shalt  }
0x71: {  	_ =	shalt  }
0x72: {  	_ =	shalt  }
0x73: {  	_ =	shalt  }
0x74: {  	_ =	shalt  }
0x75: {  	_ =	shalt  }
0x76: {  	_ =	shalt  }
0x77: {  	_ =	shalt  }
0x78: {  	_ =	shalt  }
0x79: {  	_ =	shalt  }
0x7a: {  	_ =	shalt  }
0x7b: {  	_ =	shalt  }
0x7c: {  	_ =	shalt  }
0x7d: {  	_ =	shalt  }
0x7e: {  	_ =	shalt  }
0x7f: {  	_ =	shalt  }
0x80: {  	_ =	shalt  }
0x81: {  	_ =	shalt  }
0x82: {  	_ =	shalt  }
0x83: {  	_ =	shalt  }
0x84: {  	_ =	shalt  }
0x85: {  	_ =	shalt  }
0x86: {  	_ =	shalt  }
0x87: {  	_ =	shalt  }
.Lfunc_end0:
.L_simem_size_0:
called_computation.2_lowered:
.L_overlay_start_0:
0x88: {  	s2 =	sld [smem:$0x3FD9]  }
0x89: {  	s3 =	sld [smem:$0x3FFE];
	_ =	sdelay $0x1  }
0x8a: {  	s1 =	srdreg.scid  }
0x8b: {  	s0 =	sand.u32 $0x1, s1  }
0x8c: {  	s17 =	sshll.u32 s0, $0xA;
	s2 =	sadd.s32 s3, s2  }
0x8d: {  	s2 =	sadd.s32 s2, s17  }
0x8e: {  	[smem:$0x3FBA] =	sst s2  }
0x8f: {  	_ = 	snop  }
0x90: {  	s18 =	sld [smem:$0x3FC9]  }
0x91: {  	s4 =	sld [smem:$0x3FC8]  }
0x92: {  	s5 =	sld [smem:$0x3FC5]  }
0x93: {  	s6 =	sld [smem:$0x3FC4];
	(tm) =	ssettm $0x1  }
0x94: {  	s19 =	sld [smem:$0x3FFB];
	_ =	sdelay $0x3  }
0x95: {  	_ =	strace s19  }
0x96: {  	s2 =	sld [smem:$0x3FFC];
	_ =	sdelay $0x3  }
0x97: {  	_ =	strace s2  }
0x98: {  	s2 =	sld [smem:$0x3FFD];
	_ =	sdelay $0x3  }
0x99: {  	_ =	strace s2  }
0x9a: {  	_ =	strace $0x8FFFFFFF  }
0x9b: {  	s20 =	sld [smem:$0x3FDB];
	_ =	sdelay $0x1  }
0x9c: {  	s7 =	simm.s32 $_scs_section_size  }
0x9d: {  	s8 =	simm.s32 $_size__tile_overlayer_lowered;
	s9 =	simm.s32 $_tile_overlayer_lowered  }
0x9e: {  	s10 =	simm.s32 $0x1BFF;
	s21 =	sshll.u32 s9, $0x1;
	s7 =	sadd.s32 s7, s20  }
0x9f: {  	s22 =	simm.s32 $0x0;
	s8 =	sshll.u32 s8, $0x1;
	s9 =	sadd.s32 s21, s7  }
0xa0: {  	[timem:s22], [sflag:s10] =	dma.local [hbm:s9], s8  }
0xa1: {  	_ =	swait.ge [sflag:s10], s8  }
0xa2: {  	s8 =	ssub.s32 $0x0, s8;
	[sflag:s10] =	ssyncset.done $0x0  }
0xa3: {  	[sflag:s10] =	ssyncadd.s32 s8;
	_ =	sdelay $0x1  }
0xa4: {  	s23 =	simm.s32 $0x1B8B  }
0xa5: {  	_ =	swait.ge [sflag:s23], $0x1  }
0xa6: {  	[sflag:s23] =	ssyncset.done $0x0  }
0xa7: {  	[sflag:s23] =	ssyncadd.s32 $0xFFFFFFFF  }
0xa8: {  	s8 =	sld [smem:$0x0]  }
0xa9: {  	s9 =	sand.u32 $0xFFFFFFFE, s1  }
0xaa: {  	p0 =	sne.s32 s1, s9  }
0xab: {  	s9 =	sshll.u32 @p0 s9, $0xE  }
0xac: {  	s9 =	sadd.s32 @p0 $0x11B8D, s9;
	s10 =	sshll.u32 @p0 s8, $0x11  }
0xad: {  	s9 =	sor.u32 @p0 s10, s9  }
0xae: {  	[sflag:s9] =	ssyncadd.remote.s32 @p0 $0x1;
	_ =	sdelay $0x1  }
0xaf: {  	s9 =	simm.s32 @p0 $0x1B8D  }
0xb0: {  	_ =	swait.eq @p0 [sflag:s9], $0x1  }
0xb1: {  	[sflag:s9] =	ssyncadd.s32 @p0 $0xFFFFFFFF  }
0xb2: {  	s10 =	sshll.u32 @!p0 s1, $0xE  }
0xb3: {  	s10 =	sor.u32 @!p0 $0x4000, s10;
	s9 =	simm.s32 @!p0 $0x1B8D  }
0xb4: {  	s8 =	sshll.u32 @!p0 s8, $0x11;
	s10 =	sadd.s32 @!p0 $0x11B8D, s10;
	_ =	swait.eq @!p0 [sflag:s9], $0x1  }
0xb5: {  	s8 =	sor.u32 @!p0 s8, s10;
	[sflag:s9] =	ssyncadd.s32 @!p0 $0xFFFFFFFF  }
0xb6: {  	s25 =	simm.s32 $0x1B8E;
	s24 =	sld [smem:$0x3FFE];
	[sflag:s8] =	ssyncadd.remote.s32 @!p0 $0x1  }
0xb7: {  	s26 =	simm.s32 $execute0_lowered;
	[smem:$0x3FD2] =	sst s25  }
0xb8: {  	s9 =	sshll.u32 s26, $0x1;
	_ =	strace $0x8000004C;
	[dreg:$0x1] =	wrdreg $0xFFFFFFFF  }
0xb9: {  	s28 =	simm.s32 $_size_execute0_lowered;
	s7 =	sadd.s32 s7, s9;
	[dreg:$0x0] =	wrdreg $0x0  }
0xba: {  	s9 =	sshll.u32 s28, $0x1;
	[dreg:$0x2] =	wrdreg s7  }
0xbb: {  	[dreg:$0x3] =	wrdreg s9  }
0xbc: {  	[dreg:$0x4] =	wrdreg $0xC0  }
0xbd: {  	_ =	task [dreg:s22], $0x5FFFF  }
0xbe: {  	[dreg:$0x1] =	wrdreg $0xFFFFFFFF  }
0xbf: {  	[dreg:$0x0] =	wrdreg $0x60  }
0xc0: {  	[dreg:$0x2] =	wrdreg s18  }
0xc1: {  	[dreg:$0x3] =	wrdreg s4  }
0xc2: {  	[dreg:$0x4] =	wrdreg s5  }
0xc3: {  	[dreg:$0x5] =	wrdreg s6  }
0xc4: {  	[dreg:$0x6] =	wrdreg s24  }
0xc5: {  	[dreg:$0x7] =	wrdreg $0xB  }
0xc6: {  	_ =	task.clear_ibuf [dreg:s22], $0x8FFFF;
	_ =	strace $0x9000004C  }
0xc7: {  	s29 =	simm.s32 $0xB;
	_ =	strace $0x8000004E  }
0xc8: {  	_ =	swait.ge [sflag:s29], $0x1  }
0xc9: {  	[sflag:s29] =	ssyncadd.s32 $0xFFFFFFFF  }
0xca: {  	_ =	strace $0x9000004E  }
0xcb: {  	_ =	sfence  }
0xcc: {  	s30 =	sld [smem:$0x0];
	_ =	sdelay $0x2  }
0xcd: {  	s31 =	sshll.u32 s1, $0xD;
	s1 =	sshrl.u32 s1, $0x2  }
0xce: {  	s4 =	sand.u32 $0x4000, s31;
	s1 =	sadd.s32 s1, s30  }
0xcf: {  	s0 =	sor.u32 s4, s0;
	s1 =	sshll.u32 s1, $0x11  }
0xd0: {  	s0 =	sor.u32 s1, s0  }
0xd1: {  	s0 =	sadd.s32 $0x8F2B, s0  }
0xd2: {  	[sflag:s0] =	ssyncadd.remote.s32 $0x1  }
0xd3: {  	_ =	sfence.sel $0xFFFF  }
0xd4: {  	[dreg:$0x0] =	wrdreg $0xFFFFFFFF;
	(pc) =	sbr.abs _section_cstart, $3  }
0xd5: {  	[dreg:$0x1] =	wrdreg $0xFFFFFFFF  }
0xd6: {  	_ =	task.clear_ibuf [dreg:s22], $0x2FFFF;
	_ =	strace $0x9FFFFFFF  }
0xd7: {  	(tm) =	ssettm $0x7FFFFFFF  }
tec
execute0_lowered:
.L_overlay_start_1:
0x0: {  	(tag) =	ssettag $0x1  }
0x1: {  	s5 =	rddreg [dreg:$0x0]  }
0x2: {  	s7 =	rddreg [dreg:$0x1]  }
0x3: {  	s1 =	rddreg [dreg:$0x2];
	s2 =	srdreg.scid  }
0x4: {  	s3 =	rddreg [dreg:$0x3];
	s0 =	stileid.u32;
	s30 =	sand.u32 $0x1, s2  }
0x5: {  	s13 =	rddreg [dreg:$0x4];
	s6 =	sshll.u32 s0, $0xA;
	s8 =	sshll.u32 s30, $0x9  }
0x6: {  	s4 =	simm.s32 $0x0;
	s2 =	rddreg [dreg:$0x5];
	s14 =	sor.u32 s8, s6  }
0x7: {  	[smem:$0x7FF] =	sst s4;
	s8 =	sshrl.u32 s14, $0x3  }
0x8: {  	_ =	strace $0x8000004D;
	s6 =	simm.s32 $0x3;
	s5 =	sadd.s32 s5, s8  }
0x9: {  	[tilespmem:s4], [sflag:$0x3] =	stream.linear.gather [hbm4b:s5+s4], $0x200, $0x38;
	[tilespmem:$0x10400] =	vst v63  }
0xa: {  	_ =	swait.ge [sflag:s6], $0x200  }
0xb: {  	[sflag:s6] =	ssyncset.done $0x0  }
0xc: {  	s7 =	sadd.s32 s7, s8;
	s8 =	simm.s32 $0x200;
	[sflag:s6] =	ssyncadd.s32 $0xFFFFFE00  }
0xd: {  	[tilespmem:s8], [sflag:$0x3] =	stream.linear.gather [hbm4b:s7+s4], $0x200, $0x38;
	[tilespmem:$0x10400] =	vst v63  }
0xe: {  	_ =	swait.ge [sflag:s6], $0x200  }
0xf: {  	[sflag:s6] =	ssyncset.done $0x0  }
0x10: {  	s9 =	simm.s32 $0x80;
	s10 =	simm.s32 $0x400;
	[sflag:s6] =	ssyncadd.s32 $0xFFFFFE00  }
0x11: {  	[tilespmem:s10], [sflag:$0x1] =	stream.indirect.gather [hbm4b:s1+s9], $0x80, s4, s9, $0xb8;
	[tilespmem:$0x10400] =	vst v63  }
0x12: {  	s11 =	simm.s32 $0x8400;
	s12 =	simm.s32 $0x1  }
0x13: {  	[tilespmem:s11], [sflag:$0x1] =	stream.indirect.gather [hbm4b:s3+s9], $0x80, s8, s9, $0xb8;
	[tilespmem:$0x10400] =	vst v63  }
0x14: {  	_ =	swait.ge [sflag:s12], $0x4000  }
0x15: {  	[sflag:s12] =	ssyncset.done $0x0  }
0x16: {  	[sflag:s12] =	ssyncadd.s32 $0xFFFFC000  }
0x17: {  	_ =	swait.ge [sflag:s12], $0x4000  }
0x18: {  	s28 =	sadd.s32 $0x22400, s13;
	s31 =	sshll.u32 s14, $0x4;
	[sflag:s12] =	ssyncset.done $0x0  }
0x19: {  	s29 =	sadd.s32 $0x62400, s13;
	s13 =	sadd.s32 s28, s31;
	[sflag:s12] =	ssyncadd.s32 $0xFFFFC000  }
0x1a: {  	[hbm4b:s13+s4] =	stream.linear.scatter [tilespmem:s10], [sflag:$0x2], $0x4000, $0x38;
	[tilespmem:$0x10400] =	vst v63  }
0x1b: {  	s14 =	sadd.s32 s29, s31  }
0x1c: {  	[hbm4b:s14+s4] =	stream.linear.scatter [tilespmem:s11], [sflag:$0x2], $0x4000, $0x38;
	[tilespmem:$0x10400] =	vst v63  }
0x1d: {  	s15 =	simm.s32 $0x4400  }
0x1e: {  	[tilespmem:s15], [sflag:$0x1] =	stream.indirect.gather [hbm4b:s1+s9], $0x80, s9, s9, $0xb8;
	[tilespmem:$0x10400] =	vst v63  }
0x1f: {  	s16 =	simm.s32 $0x280;
	s17 =	simm.s32 $0xC400  }
0x20: {  	[tilespmem:s17], [sflag:$0x1] =	stream.indirect.gather [hbm4b:s3+s9], $0x80, s16, s9, $0xb8;
	[tilespmem:$0x10400] =	vst v63  }
0x21: {  	_ =	swait.ge [sflag:s12], $0x4000  }
0x22: {  	[sflag:s12] =	ssyncset.done $0x0  }
0x23: {  	[sflag:s12] =	ssyncadd.s32 $0xFFFFC000  }
0x24: {  	_ =	swait.ge [sflag:s12], $0x4000  }
0x25: {  	s19 =	sor.u32 $0x800, s31;
	[sflag:s12] =	ssyncset.done $0x0  }
0x26: {  	s18 =	sadd.s32 s28, s19;
	[sflag:s12] =	ssyncadd.s32 $0xFFFFC000  }
0x27: {  	[hbm4b:s18+s4] =	stream.linear.scatter [tilespmem:s15], [sflag:$0x2], $0x4000, $0x38;
	[tilespmem:$0x10400] =	vst v63  }
0x28: {  	s20 =	sadd.s32 s29, s19;
	s19 =	simm.s32 $0x2  }
0x29: {  	[hbm4b:s20+s4] =	stream.linear.scatter [tilespmem:s17], [sflag:$0x2], $0x4000, $0x38;
	[tilespmem:$0x10400] =	vst v63  }
0x2a: {  	_ =	swait.ge [sflag:s19], $0x4000  }
0x2b: {  	[sflag:s19] =	ssyncset.done $0x0  }
0x2c: {  	[sflag:s19] =	ssyncadd.s32 $0xFFFFC000  }
0x2d: {  	_ =	swait.ge [sflag:s19], $0x4000  }
0x2e: {  	[sflag:s19] =	ssyncset.done $0x0  }
0x2f: {  	s21 =	simm.s32 $0x100;
	[sflag:s19] =	ssyncadd.s32 $0xFFFFC000  }
0x30: {  	[tilespmem:s10], [sflag:$0x1] =	stream.indirect.gather [hbm4b:s1+s9], $0x80, s21, s9, $0xb8;
	[tilespmem:$0x10400] =	vst v63  }
0x31: {  	s22 =	simm.s32 $0x300  }
0x32: {  	[tilespmem:s11], [sflag:$0x1] =	stream.indirect.gather [hbm4b:s3+s9], $0x80, s22, s9, $0xb8;
	[tilespmem:$0x10400] =	vst v63  }
0x33: {  	_ =	swait.ge [sflag:s12], $0x4000  }
0x34: {  	[sflag:s12] =	ssyncset.done $0x0  }
0x35: {  	[sflag:s12] =	ssyncadd.s32 $0xFFFFC000  }
0x36: {  	_ =	swait.ge [sflag:s12], $0x4000  }
0x37: {  	s24 =	sor.u32 $0x1000, s31;
	[sflag:s12] =	ssyncset.done $0x0  }
0x38: {  	s23 =	sadd.s32 s28, s24;
	[sflag:s12] =	ssyncadd.s32 $0xFFFFC000  }
0x39: {  	[hbm4b:s23+s4] =	stream.linear.scatter [tilespmem:s10], [sflag:$0x2], $0x4000, $0x38;
	[tilespmem:$0x10400] =	vst v63  }
0x3a: {  	s24 =	sadd.s32 s29, s24  }
0x3b: {  	[hbm4b:s24+s4] =	stream.linear.scatter [tilespmem:s11], [sflag:$0x2], $0x4000, $0x38;
	[tilespmem:$0x10400] =	vst v63  }
0x3c: {  	_ =	swait.ge [sflag:s19], $0x4000  }
0x3d: {  	[sflag:s19] =	ssyncset.done $0x0  }
0x3e: {  	[sflag:s19] =	ssyncadd.s32 $0xFFFFC000  }
0x3f: {  	_ =	swait.ge [sflag:s19], $0x4000  }
0x40: {  	[sflag:s19] =	ssyncset.done $0x0  }
0x41: {  	s25 =	simm.s32 $0x180;
	[sflag:s19] =	ssyncadd.s32 $0xFFFFC000  }
0x42: {  	[tilespmem:s15], [sflag:$0x1] =	stream.indirect.gather [hbm4b:s1+s9], $0x80, s25, s9, $0xb8;
	[tilespmem:$0x10400] =	vst v63  }
0x43: {  	s26 =	simm.s32 $0x380  }
0x44: {  	[tilespmem:s17], [sflag:$0x1] =	stream.indirect.gather [hbm4b:s3+s9], $0x80, s26, s9, $0xb8;
	[tilespmem:$0x10400] =	vst v63  }
0x45: {  	_ =	swait.ge [sflag:s12], $0x4000  }
0x46: {  	[sflag:s12] =	ssyncset.done $0x0  }
0x47: {  	[sflag:s12] =	ssyncadd.s32 $0xFFFFC000  }
0x48: {  	_ =	swait.ge [sflag:s12], $0x4000  }
0x49: {  	s31 =	sor.u32 $0x1800, s31;
	[sflag:s12] =	ssyncset.done $0x0  }
0x4a: {  	s28 =	sadd.s32 s28, s31;
	[sflag:s12] =	ssyncadd.s32 $0xFFFFC000  }
0x4b: {  	[hbm4b:s28+s4] =	stream.linear.scatter [tilespmem:s15], [sflag:$0x2], $0x4000, $0x38;
	[tilespmem:$0x10400] =	vst v63  }
0x4c: {  	s29 =	sadd.s32 s29, s31  }
0x4d: {  	[hbm4b:s29+s4] =	stream.linear.scatter [tilespmem:s17], [sflag:$0x2], $0x4000, $0x38;
	[tilespmem:$0x10400] =	vst v63  }
0x4e: {  	_ =	swait.ge [sflag:s19], $0x4000  }
0x4f: {  	s30 =	ssub.s32 $0x2, s30;
	[sflag:s19] =	ssyncset.done $0x0  }
0x50: {  	s31 =	sshrl.u32 s30, $0x1;
	[sflag:s19] =	ssyncadd.s32 $0xFFFFC000  }
0x51: {  	s30 =	ssub.s32 s30, s31;
	_ =	swait.ge [sflag:s19], $0x4000  }
0x52: {  	s30 =	smax.u32 s30, $0x1;
	[sflag:s19] =	ssyncset.done $0x0  }
0x53: {  	p0 =	sne.s32 s30, $0x1;
	[sflag:s19] =	ssyncadd.s32 $0xFFFFC000  }
.Ltmp0:
0x54: {  	_ =	swait.ge [sflag:s19], $0x4000;
	(pc) =	sbr.rel @!p0 .LBB2_2-.Ltmp0, $4  }
0x55: {  	[sflag:s19] =	ssyncset.done $0x0  }
0x56: {  	[sflag:s19] =	ssyncadd.s32 $0xFFFFC000  }
0x57: {  	_ =	swait.ge [sflag:s19], $0x4000  }
0x58: {  	s30 =	sadd.s32 $0xFFFFFFFF, s30;
	[sflag:s19] =	ssyncset.done $0x0  }
.LBB2_1:
0x59: {  	p0 =	sne.s32 s30, $0x1;
	s30 =	sadd.s32 $0xFFFFFFFF, s30;
	[sflag:s19] =	ssyncadd.s32 $0xFFFFC000  }
0x5a: {  	[tilespmem:s4], [sflag:$0x3] =	stream.linear.gather [hbm4b:s5+s4], $0x200, $0x38;
	[tilespmem:$0x10400] =	vst v63  }
0x5b: {  	_ =	swait.ge [sflag:s6], $0x200  }
0x5c: {  	[sflag:s6] =	ssyncset.done $0x0  }
0x5d: {  	[sflag:s6] =	ssyncadd.s32 $0xFFFFFE00  }
0x5e: {  	[tilespmem:s8], [sflag:$0x3] =	stream.linear.gather [hbm4b:s7+s4], $0x200, $0x38;
	[tilespmem:$0x10400] =	vst v63  }
0x5f: {  	_ =	swait.ge [sflag:s6], $0x200  }
0x60: {  	[sflag:s6] =	ssyncset.done $0x0  }
0x61: {  	[sflag:s6] =	ssyncadd.s32 $0xFFFFFE00  }
0x62: {  	[tilespmem:s10], [sflag:$0x1] =	stream.indirect.gather [hbm4b:s1+s9], $0x80, s4, s9, $0xb8;
	[tilespmem:$0x10400] =	vst v63  }
0x63: {  	_ = 	snop  }
0x64: {  	[tilespmem:s11], [sflag:$0x1] =	stream.indirect.gather [hbm4b:s3+s9], $0x80, s8, s9, $0xb8;
	[tilespmem:$0x10400] =	vst v63  }
0x65: {  	_ =	swait.ge [sflag:s12], $0x4000  }
0x66: {  	[sflag:s12] =	ssyncset.done $0x0  }
0x67: {  	[sflag:s12] =	ssyncadd.s32 $0xFFFFC000  }
0x68: {  	_ =	swait.ge [sflag:s12], $0x4000  }
0x69: {  	[sflag:s12] =	ssyncset.done $0x0  }
0x6a: {  	[sflag:s12] =	ssyncadd.s32 $0xFFFFC000  }
0x6b: {  	[hbm4b:s13+s4] =	stream.linear.scatter [tilespmem:s10], [sflag:$0x2], $0x4000, $0x38;
	[tilespmem:$0x10400] =	vst v63  }
0x6c: {  	_ = 	snop  }
0x6d: {  	[hbm4b:s14+s4] =	stream.linear.scatter [tilespmem:s11], [sflag:$0x2], $0x4000, $0x38;
	[tilespmem:$0x10400] =	vst v63  }
0x6e: {  	_ = 	snop  }
0x6f: {  	[tilespmem:s15], [sflag:$0x1] =	stream.indirect.gather [hbm4b:s1+s9], $0x80, s9, s9, $0xb8;
	[tilespmem:$0x10400] =	vst v63  }
0x70: {  	_ = 	snop  }
0x71: {  	[tilespmem:s17], [sflag:$0x1] =	stream.indirect.gather [hbm4b:s3+s9], $0x80, s16, s9, $0xb8;
	[tilespmem:$0x10400] =	vst v63  }
0x72: {  	_ =	swait.ge [sflag:s12], $0x4000  }
0x73: {  	[sflag:s12] =	ssyncset.done $0x0  }
0x74: {  	[sflag:s12] =	ssyncadd.s32 $0xFFFFC000  }
0x75: {  	_ =	swait.ge [sflag:s12], $0x4000  }
0x76: {  	[sflag:s12] =	ssyncset.done $0x0  }
0x77: {  	[sflag:s12] =	ssyncadd.s32 $0xFFFFC000  }
0x78: {  	[hbm4b:s18+s4] =	stream.linear.scatter [tilespmem:s15], [sflag:$0x2], $0x4000, $0x38;
	[tilespmem:$0x10400] =	vst v63  }
0x79: {  	_ = 	snop  }
0x7a: {  	[hbm4b:s20+s4] =	stream.linear.scatter [tilespmem:s17], [sflag:$0x2], $0x4000, $0x38;
	[tilespmem:$0x10400] =	vst v63  }
0x7b: {  	_ =	swait.ge [sflag:s19], $0x4000  }
0x7c: {  	[sflag:s19] =	ssyncset.done $0x0  }
0x7d: {  	[sflag:s19] =	ssyncadd.s32 $0xFFFFC000  }
0x7e: {  	_ =	swait.ge [sflag:s19], $0x4000  }
0x7f: {  	[sflag:s19] =	ssyncset.done $0x0  }
0x80: {  	[sflag:s19] =	ssyncadd.s32 $0xFFFFC000  }
0x81: {  	[tilespmem:s10], [sflag:$0x1] =	stream.indirect.gather [hbm4b:s1+s9], $0x80, s21, s9, $0xb8;
	[tilespmem:$0x10400] =	vst v63  }
0x82: {  	_ = 	snop  }
0x83: {  	[tilespmem:s11], [sflag:$0x1] =	stream.indirect.gather [hbm4b:s3+s9], $0x80, s22, s9, $0xb8;
	[tilespmem:$0x10400] =	vst v63  }
0x84: {  	_ =	swait.ge [sflag:s12], $0x4000  }
0x85: {  	[sflag:s12] =	ssyncset.done $0x0  }
0x86: {  	[sflag:s12] =	ssyncadd.s32 $0xFFFFC000  }
0x87: {  	_ =	swait.ge [sflag:s12], $0x4000  }
0x88: {  	[sflag:s12] =	ssyncset.done $0x0  }
0x89: {  	[sflag:s12] =	ssyncadd.s32 $0xFFFFC000  }
0x8a: {  	[hbm4b:s23+s4] =	stream.linear.scatter [tilespmem:s10], [sflag:$0x2], $0x4000, $0x38;
	[tilespmem:$0x10400] =	vst v63  }
0x8b: {  	_ = 	snop  }
0x8c: {  	[hbm4b:s24+s4] =	stream.linear.scatter [tilespmem:s11], [sflag:$0x2], $0x4000, $0x38;
	[tilespmem:$0x10400] =	vst v63  }
0x8d: {  	_ =	swait.ge [sflag:s19], $0x4000  }
0x8e: {  	[sflag:s19] =	ssyncset.done $0x0  }
0x8f: {  	[sflag:s19] =	ssyncadd.s32 $0xFFFFC000  }
0x90: {  	_ =	swait.ge [sflag:s19], $0x4000  }
0x91: {  	[sflag:s19] =	ssyncset.done $0x0  }
0x92: {  	[sflag:s19] =	ssyncadd.s32 $0xFFFFC000  }
0x93: {  	[tilespmem:s15], [sflag:$0x1] =	stream.indirect.gather [hbm4b:s1+s9], $0x80, s25, s9, $0xb8;
	[tilespmem:$0x10400] =	vst v63  }
0x94: {  	_ = 	snop  }
0x95: {  	[tilespmem:s17], [sflag:$0x1] =	stream.indirect.gather [hbm4b:s3+s9], $0x80, s26, s9, $0xb8;
	[tilespmem:$0x10400] =	vst v63  }
0x96: {  	_ =	swait.ge [sflag:s12], $0x4000  }
0x97: {  	[sflag:s12] =	ssyncset.done $0x0  }
0x98: {  	[sflag:s12] =	ssyncadd.s32 $0xFFFFC000  }
0x99: {  	_ =	swait.ge [sflag:s12], $0x4000  }
0x9a: {  	[sflag:s12] =	ssyncset.done $0x0  }
0x9b: {  	[sflag:s12] =	ssyncadd.s32 $0xFFFFC000  }
0x9c: {  	[hbm4b:s28+s4] =	stream.linear.scatter [tilespmem:s15], [sflag:$0x2], $0x4000, $0x38;
	[tilespmem:$0x10400] =	vst v63  }
0x9d: {  	_ = 	snop  }
0x9e: {  	[hbm4b:s29+s4] =	stream.linear.scatter [tilespmem:s17], [sflag:$0x2], $0x4000, $0x38;
	[tilespmem:$0x10400] =	vst v63  }
0x9f: {  	_ =	swait.ge [sflag:s19], $0x4000  }
0xa0: {  	[sflag:s19] =	ssyncset.done $0x0  }
0xa1: {  	[sflag:s19] =	ssyncadd.s32 $0xFFFFC000  }
0xa2: {  	_ =	swait.ge [sflag:s19], $0x4000  }
0xa3: {  	[sflag:s19] =	ssyncset.done $0x0  }
0xa4: {  	[sflag:s19] =	ssyncadd.s32 $0xFFFFC000  }
.Ltmp1:
0xa5: {  	_ =	swait.ge [sflag:s19], $0x4000;
	(pc) =	sbr.rel @p0 .LBB2_1-.Ltmp1, $4  }
0xa6: {  	[sflag:s19] =	ssyncset.done $0x0  }
0xa7: {  	[sflag:s19] =	ssyncadd.s32 $0xFFFFC000  }
0xa8: {  	_ =	swait.ge [sflag:s19], $0x4000  }
0xa9: {  	[sflag:s19] =	ssyncset.done $0x0  }
.LBB2_2:
0xaa: {  	[sflag:s19] =	ssyncadd.s32 $0xFFFFC000  }
0xab: {  	_ =	sfence.sel $0x180000  }
0xac: {  	[bflag:$0x0] =	sbarrier.arrive $0xFFFF  }
0xad: {  	p0 =	sne.s32 s0, $0x0;
	_ =	strace $0x9000004D  }
0xae: {  	s0 =	sadd.s32 @!p0 $0x100000, s2;
	[bflag:$0x2] =	sbarrier.arrive $0xFFFF  }
0xaf: {  	[sflag:s0] =	ssyncadd.tile.s32 @!p0 $0x1;
	_ =	shalt  }
.Lfunc_end2:
_tile_overlayer_lowered:
.L_overlay_start_2:
0xb0: {  	(tag) =	ssettag $0x2  }
0xb1: {  	s0 =	rddreg [dreg:$0x0];
	s2 =	stileid.u32  }
0xb2: {  	s1 =	rddreg [dreg:$0x1];
	p0 =	sne.s32 s2, $0x0  }
0xb3: {  	s3 =	rddreg [dreg:$0x2];
	[bflag:$0x3] =	sbarrier.arrive $0xFFFF;
	s2 =	simm.s32 @!p0 $0x1C03  }
0xb4: {  	[timem:s3], [sflag:s2] =	dma.local @!p0 [hbm:s0], s1  }
0xb5: {  	s0 =	simm.s32 @!p0 $0x3  }
0xb6: {  	_ =	swait.ge @!p0 [sflag:s0], s1  }
0xb7: {  	s1 =	ssub.s32 @!p0 $0x0, s1;
	[sflag:s0] =	ssyncset.done @!p0 $0x0  }
0xb8: {  	[sflag:s0] =	ssyncadd.s32 @!p0 s1  }
0xb9: {  	[bflag:$0x3] =	sbarrier.arrive $0xFFFF  }
0xba: {  	_ =	shalt  }

</sc_bundles>
